<compile_context>
chip_gen: v7x
topology: tpu7x:2x2x1
jax: 0.10.2.dev20260603
libtpu: 0.0.44.dev20260713+nightly
codegen_flags: <defaults>
</compile_context>

<pallas_src>
import functools

import jax
import jax.numpy as jnp
from jax import lax
from jax.experimental import pallas as pl
from jax.experimental.pallas import tpu as pltpu
from jax.experimental.pallas import tpu_sc as plsc

G = 10
NPG = 1000
F = 128
EPG = 32000
E_TOT = G * EPG
NC, NS, LANES = 2, 16, 16
NW = NC * NS
R0 = 32
A2W = 256


def _pack_edges_body(s_ref, d_ref, o_ref):
    s = s_ref[...]
    d = d_ref[...]
    gbase = (d // NPG) * NPG
    o_ref[...] = lax.shift_left(d - gbase, 10) | (s - gbase)


def _pack_edges(edge_index):
    ei = edge_index.reshape(2, 1, E_TOT)
    return pl.pallas_call(
        _pack_edges_body,
        out_shape=jax.ShapeDtypeStruct((1, E_TOT), jnp.int32),
    )(ei[0], ei[1]).reshape(E_TOT)


def _sc_counts(packed):
    mesh = plsc.VectorSubcoreMesh(core_axis_name="c", subcore_axis_name="s")
    out_type = [
        jax.ShapeDtypeStruct((G * NPG * NPG,), jnp.float32),
        jax.ShapeDtypeStruct((G * (NPG // 2) * (NPG // 2),), jnp.float32),
        jax.ShapeDtypeStruct((G * (NPG // 4) * A2W,), jnp.float32),
    ]
    scratch = [
        pltpu.VMEM((EPG,), jnp.int32),
        pltpu.VMEM((R0 * NPG,), jnp.float32),
        pltpu.VMEM(((R0 // 2) * (NPG // 2),), jnp.float32),
        pltpu.VMEM(((R0 // 4) * A2W,), jnp.float32),
        pltpu.SemaphoreType.DMA,
        pltpu.SemaphoreType.DMA,
        pltpu.SemaphoreType.DMA,
        pltpu.SemaphoreType.DMA,
    ]
    UNROLL = 8

    @functools.partial(
        pl.kernel, mesh=mesh, out_type=out_type, scratch_types=scratch,
        compiler_params=pltpu.CompilerParams(needs_layout_passes=False))
    def k(p_hbm, a0_hbm, a1_hbm, a2_hbm, p_v, a0_v, a1_v, a2_v,
          sem_s, sem0, sem1, sem2):
        w = lax.axis_index("s") * NC + lax.axis_index("c")
        r0 = jnp.minimum(w * R0, NPG - R0)
        ones = jnp.full((LANES,), 1.0, jnp.float32)
        zeros = jnp.zeros((LANES,), jnp.float32)
        r0u = jnp.uint32(R0)

        def in_copies(g):
            return (pltpu.make_async_copy(p_hbm.at[pl.ds(g * EPG, EPG)], p_v, sem_s),)

        def out_copies(g):
            return (
                pltpu.make_async_copy(
                    a0_v, a0_hbm.at[pl.ds(g * NPG * NPG + r0 * NPG, R0 * NPG)], sem0),
                pltpu.make_async_copy(
                    a1_v,
                    a1_hbm.at[pl.ds(g * (NPG // 2) * (NPG // 2) + (r0 // 4) * NPG,
                                    (R0 // 2) * (NPG // 2))], sem1),
                pltpu.make_async_copy(
                    a2_v,
                    a2_hbm.at[pl.ds(g * (NPG // 4) * A2W + (r0 // 4) * A2W,
                                    (R0 // 4) * A2W)], sem2),
            )

        def zero_loop(buf, n):
            zu = 8 if n % (8 * LANES) == 0 else 1

            def zb(i, c):
                for j in range(zu):
                    buf[pl.ds(i * (zu * LANES) + j * LANES, LANES)] = zeros
                return c

            lax.fori_loop(0, n // (zu * LANES), zb, 0)

        for c in in_copies(0):
            c.start()

        def graph_body(g, carry):
            @pl.when(g > 0)
            def _():
                for c in out_copies(g - 1):
                    c.wait()

            zero_loop(a0_v, R0 * NPG)
            zero_loop(a1_v, (R0 // 2) * (NPG // 2))
            zero_loop(a2_v, (R0 // 4) * A2W)
            for j in range(R0 // LANES):
                t = lax.iota(jnp.int32, LANES) + j * LANES
                plsc.addupdate_scatter(a0_v, [t * (NPG + 1) + r0], ones)
            for c in in_copies(g):
                c.wait()

            def chunk(i, c):
                for j in range(UNROLL):
                    off = i * (LANES * UNROLL) + j * LANES
                    p = p_v[pl.ds(off, LANES)]
                    sl = p & 1023
                    dr = lax.shift_right_logical(p, 10) - r0
                    mask = plsc.bitcast(dr, jnp.uint32) < r0u
                    plsc.addupdate_scatter(a0_v, [dr * NPG + sl], ones, mask=mask)
                    dr1 = lax.shift_right_logical(dr, 1)
                    sl1 = lax.shift_right_logical(sl, 1)
                    plsc.addupdate_scatter(a1_v, [dr1 * (NPG // 2) + sl1], ones, mask=mask)
                    dr2 = lax.shift_right_logical(dr, 2)
                    sl2 = lax.shift_right_logical(sl, 2)
                    plsc.addupdate_scatter(a2_v, [dr2 * A2W + sl2], ones, mask=mask)
                return c

            lax.fori_loop(0, EPG // (LANES * UNROLL), chunk, 0)
            for c in out_copies(g):
                c.start()

            @pl.when(g < G - 1)
            def _():
                for c in in_copies(g + 1):
                    c.start()

            return carry

        lax.fori_loop(0, G, graph_body, 0)
        for c in out_copies(G - 1):
            c.wait()

    a0, a1, a2 = k(packed)
    return (a0.reshape(G, NPG, NPG),
            a1.reshape(G, NPG // 2, NPG // 2),
            a2.reshape(G, NPG // 4, A2W))


def _layer_body(n, first, n_prev_rows, *refs):
    if first:
        a_ref, h_ref, w_ref, as_ref, ad_ref, b_ref, oh_ref, os1_ref, os2_ref = refs
    else:
        a_ref, h_ref, w_ref, as_ref, ad_ref, b_ref, s1_ref, s2_ref, oh_ref, os1_ref, os2_ref = refs
    h = h_ref[0]
    if not first:
        mu = s1_ref[...] / n_prev_rows
        var = jnp.maximum(s2_ref[...] / n_prev_rows - mu * mu, 0.0)
        h = (h - mu) * lax.rsqrt(var + 1e-5)
    h = jnp.dot(h, w_ref[...], preferred_element_type=jnp.float32, precision=lax.Precision.DEFAULT)
    hd = jnp.dot(h, ad_ref[...], preferred_element_type=jnp.float32, precision=lax.Precision.DEFAULT)
    hs = lax.dot_general(as_ref[...], h, (((1,), (1,)), ((), ())),
                         preferred_element_type=jnp.float32, precision=lax.Precision.DEFAULT)
    e = hd + hs
    e = jnp.where(e >= 0, e, 0.2 * e)
    a = a_ref[0][:, :n]
    if first:
        m_mat = a
    else:
        row = lax.broadcasted_iota(jnp.int32, (n, n), 0)
        col = lax.broadcasted_iota(jnp.int32, (n, n), 1)
        diag = row == col
        m_mat = jnp.where(diag, 1.0, jnp.where(a > 0, 1.0, 0.0))
    en = jnp.where(m_mat > 0, e, -1e30)
    mx = jnp.max(en, axis=1, keepdims=True)
    p = m_mat * jnp.exp(en - mx)
    denom = jnp.sum(p, axis=1, keepdims=True) + 1e-16
    out = jnp.dot(p / denom, h, preferred_element_type=jnp.float32, precision=lax.Precision.HIGHEST) + b_ref[...]
    out = jnp.maximum(out, 0.0)
    pooled = jnp.max(out.reshape(n // 2, 2, F), axis=1)
    oh_ref[0] = pooled

    @pl.when(pl.program_id(0) == 0)
    def _():
        os1_ref[...] = jnp.zeros_like(os1_ref)
        os2_ref[...] = jnp.zeros_like(os2_ref)

    os1_ref[...] += jnp.sum(pooled, axis=0, keepdims=True)
    os2_ref[...] += jnp.sum(pooled * pooled, axis=0, keepdims=True)


def _gat_layer(a, h, w, a_s, a_d, b, sums, n, first, n_prev_rows):
    vec_spec = pl.BlockSpec((1, F), lambda g: (0, 0))
    acols = a.shape[2]
    in_specs = [
        pl.BlockSpec((1, n, acols), lambda g: (g, 0, 0)),
        pl.BlockSpec((1, n, F), lambda g: (g, 0, 0)),
        pl.BlockSpec((F, F), lambda g: (0, 0)),
        pl.BlockSpec((1, F), lambda g: (0, 0)),
        pl.BlockSpec((F, 1), lambda g: (0, 0)),
        vec_spec,
    ]
    args = [a, h, w, a_s.reshape(1, F), a_d.reshape(F, 1), b.reshape(1, F)]
    if not first:
        in_specs += [vec_spec, vec_spec]
        args += [sums[0], sums[1]]
    return pl.pallas_call(
        functools.partial(_layer_body, n, first, n_prev_rows),
        grid=(G,),
        in_specs=in_specs,
        out_specs=[
            pl.BlockSpec((1, n // 2, F), lambda g: (g, 0, 0)),
            vec_spec,
            vec_spec,
        ],
        out_shape=[
            jax.ShapeDtypeStruct((G, n // 2, F), jnp.float32),
            jax.ShapeDtypeStruct((1, F), jnp.float32),
            jax.ShapeDtypeStruct((1, F), jnp.float32),
        ],
    )(*args)


def _bn_final_body(h_ref, s1_ref, s2_ref, o_ref):
    h = h_ref[...]
    n_rows = h.shape[0] * h.shape[1]
    mu = s1_ref[...] / n_rows
    var = jnp.maximum(s2_ref[...] / n_rows - mu * mu, 0.0)
    o_ref[...] = (h - mu[None]) * lax.rsqrt(var[None] + 1e-5)


def _bn_final(h, s1, s2):
    return pl.pallas_call(
        _bn_final_body,
        out_shape=jax.ShapeDtypeStruct(h.shape, jnp.float32),
    )(h, s1, s2)


def kernel(x, edge_index, W0, as0, ad0, b0, W1, as1, ad1, b1, W2, as2, ad2, b2):
    a0, a1, a2 = _sc_counts(_pack_edges(edge_index))
    h = x.reshape(G, NPG, F)
    h, s1, s2 = _gat_layer(a0, h, W0, as0, ad0, b0, None, NPG, True, 0)
    h, s1, s2 = _gat_layer(a1, h, W1, as1, ad1, b1, (s1, s2), NPG // 2, False, G * NPG // 2)
    h, s1, s2 = _gat_layer(a2, h, W2, as2, ad2, b2, (s1, s2), NPG // 4, False, G * NPG // 4)
    out = _bn_final(h, s1, s2)
    return out.reshape(G, -1)

# --- scband reference (transcript-rebuilt; emitter-appended) ---
"""Pipeline reference for scband-gnn-cell-18133351924122 (READ-ONLY COPY).

The authoritative reference and input builder live on the scoring server;
editing this copy changes nothing except your own understanding.
"""

import jax, jax.numpy as jnp
import numpy as np

NUM_GRAPHS = 10
NODES_PER_GRAPH = 1000
N0 = NUM_GRAPHS * NODES_PER_GRAPH
DEG = 32
E = N0 * DEG
NUM_FEATURE = 128
DIM = 128
LAYERS = 3
SIZES = [10000, 5000, 2500, 1250]


def setup_inputs(seed: int = 0) -> dict:
    key = jax.random.key(seed)
    ks = jax.random.split(key, 16)
    x = jax.random.normal(ks[0], (N0, NUM_FEATURE), dtype=jnp.float32)
    # edges are constructed within each graph then offset, matching Batch.from_data_list
    src = jax.random.randint(ks[1], (NUM_GRAPHS, NODES_PER_GRAPH * DEG), 0, NODES_PER_GRAPH)
    dst = jax.random.randint(ks[2], (NUM_GRAPHS, NODES_PER_GRAPH * DEG), 0, NODES_PER_GRAPH)
    off = (jnp.arange(NUM_GRAPHS) * NODES_PER_GRAPH)[:, None]
    edge_index = jnp.stack([(src + off).reshape(-1), (dst + off).reshape(-1)]).astype(jnp.int32)
    inp = {"x": x, "edge_index": edge_index}
    in_dims = [NUM_FEATURE, DIM, DIM]
    k = 3
    for i in range(LAYERS):
        scale = float(np.sqrt(2.0 / (in_dims[i] + DIM)))
        inp[f"W{i}"] = jax.random.normal(ks[k], (in_dims[i], DIM), dtype=jnp.float32) * scale
        inp[f"as{i}"] = jax.random.normal(ks[k + 1], (DIM,), dtype=jnp.float32) * scale
        inp[f"ad{i}"] = jax.random.normal(ks[k + 2], (DIM,), dtype=jnp.float32) * scale
        inp[f"b{i}"] = jnp.zeros((DIM,), dtype=jnp.float32)
        k += 3
    return inp


def _gat(x, src, dst, valid, W, a_s, a_d, b, n):
    # PyG GATConv, heads=1, with self-loops added
    loop = jnp.arange(n)
    s = jnp.concatenate([src, loop])
    d = jnp.concatenate([dst, loop])
    v = jnp.concatenate([valid, jnp.ones((n,), dtype=bool)])
    h = x @ W
    e = jax.nn.leaky_relu((h @ a_s)[s] + (h @ a_d)[d], 0.2)
    e = jnp.where(v, e, -1e9)
    m = jax.ops.segment_max(e, d, num_segments=n)
    p = jnp.exp(e - m[d])
    p = jnp.where(v, p, 0.0)
    denom = jax.ops.segment_sum(p, d, num_segments=n)
    alpha = p / (denom[d] + 1e-16)
    out = jax.ops.segment_sum(alpha[:, None] * h[s], d, num_segments=n)
    return out + b


def _pool_edges(src, dst, cluster, n_pool):
    # PyG max_pool edge coalesce: remap, drop self-loops, dedupe (fixed-size via unique+mask)
    s = cluster[src]
    d = cluster[dst]
    ids = s * n_pool + d
    ids = jnp.where(s == d, -1, ids)
    uid = jnp.unique(ids, size=ids.shape[0], fill_value=-1)
    valid = uid >= 0
    uidc = jnp.where(valid, uid, 0)
    return uidc // n_pool, uidc % n_pool, valid


def _bn(x):
    # BatchNorm1d(affine=False), training-mode batch statistics
    mu = x.mean(axis=0)
    var = ((x - mu) ** 2).mean(axis=0)
    return (x - mu) / jnp.sqrt(var + 1e-5)


def reference(x, edge_index, W0, as0, ad0, b0, W1, as1, ad1, b1, W2, as2, ad2, b2):
    params = [(W0, as0, ad0, b0), (W1, as1, ad1, b1), (W2, as2, ad2, b2)]
    src = edge_index[0]
    dst = edge_index[1]
    valid = jnp.ones((src.shape[0],), dtype=bool)
    h = x
    for i in range(LAYERS):
        n = SIZES[i]
        n_next = SIZES[i + 1]
        W, a_s, a_d, b = params[i]
        h = jax.nn.relu(_gat(h, src, dst, valid, W, a_s, a_d, b, n))
        cluster = jnp.arange(n) // 2  # cluster_predefine[i] batched across graphs
        h = jax.ops.segment_max(h, cluster, num_segments=n_next)
        src, dst, valid = _pool_edges(src, dst, cluster, n_next)
        h = _bn(h)
    return h.reshape(NUM_GRAPHS, -1)

if __name__ == "__main__":
    import jax
    _d = setup_inputs()
    print(jax.jit(kernel)(*tuple(_d.values())))

</pallas_src>

<mosaic_0001>
#map = affine_map<(d0, d1) -> (0)>
module attributes {stable_mosaic.version = 14 : i64} {
  func.func @k(%arg0: i32, %arg1: i32, %arg2: memref<320000xi32, #tpu.memory_space<hbm>>, %arg3: memref<10000000xf32, #tpu.memory_space<hbm>>, %arg4: memref<2500000xf32, #tpu.memory_space<hbm>>, %arg5: memref<640000xf32, #tpu.memory_space<hbm>>, %arg6: memref<32000xi32, #tpu.memory_space<vmem>>, %arg7: memref<32000xf32, #tpu.memory_space<vmem>>, %arg8: memref<8000xf32, #tpu.memory_space<vmem>>, %arg9: memref<2048xf32, #tpu.memory_space<vmem>>, %arg10: memref<!tpu.dma_semaphore, #tpu.memory_space<semaphore_mem>>, %arg11: memref<!tpu.dma_semaphore, #tpu.memory_space<semaphore_mem>>, %arg12: memref<!tpu.dma_semaphore, #tpu.memory_space<semaphore_mem>>, %arg13: memref<!tpu.dma_semaphore, #tpu.memory_space<semaphore_mem>>) attributes {dimension_semantics = [#tpu.dimension_semantics<core_parallel>, #tpu.dimension_semantics<subcore_parallel>], iteration_bounds = array<i64: 2, 16>, scalar_prefetch = 0 : i64, scratch_operands = 8 : i64, tpu.core_type = #tpu.core_type<sc_vector_subcore>, window_params = [{transform_indices = #map}, {transform_indices = #map}, {transform_indices = #map}, {transform_indices = #map}]} {
    %mul3A = arith.constant 2 : i32
    %mul3A_0 = arith.muli %arg1, %mul3A : i32
    %add3A = arith.addi %mul3A_0, %arg0 : i32
    %mul3A_1 = arith.constant 32 : i32
    %mul3A_2 = arith.muli %add3A, %mul3A_1 : i32
    %min3A = arith.constant 968 : i32
    %min3A_3 = arith.minsi %mul3A_2, %min3A : i32
    %broadcast_in_dim3A = arith.constant 1.000000e+00 : f32
    %broadcast_in_dim3A_4 = vector.broadcast %broadcast_in_dim3A : f32 to vector<16xf32>
    %broadcast_in_dim3A_5 = arith.constant 0.000000e+00 : f32
    %broadcast_in_dim3A_6 = vector.broadcast %broadcast_in_dim3A_5 : f32 to vector<16xf32>
    %dma_start3A = arith.constant 0 : i32
    %dma_start3A_7 = tpu.memref_slice %arg2[%dma_start3A] : memref<320000xi32, #tpu.memory_space<hbm>> -> memref<32000xi32, #tpu.memory_space<hbm>>
    %dma_start3A_8 = arith.constant 0 : i32
    %dma_start3A_9 = tpu.memref_slice %arg2[%dma_start3A_8] : memref<320000xi32, #tpu.memory_space<hbm>> -> memref<32000xi32, #tpu.memory_space<hbm>>
    tpu.enqueue_dma source(%dma_start3A_9 : memref<32000xi32, #tpu.memory_space<hbm>>) target(%arg6 : memref<32000xi32, #tpu.memory_space<vmem>>) target_semaphore(%arg10 : memref<!tpu.dma_semaphore, #tpu.memory_space<semaphore_mem>>)
    %scan3A = arith.constant 0 : i32
    %scan3A_10 = arith.constant 32 : i32
    %scan3A_11 = arith.constant 0 : i32
    %scan3A_12 = arith.constant 10 : i32
    %scan3A_13 = arith.addi %scan3A_11, %scan3A_12 : i32
    %scan3A_14 = arith.constant 1 : i32
    scf.for %scan3A_73 = %scan3A_11 to %scan3A_13 step %scan3A_14  : i32 {
      %gt3A = arith.constant 0 : i32
      %gt3A_74 = arith.cmpi sgt, %scan3A_73, %gt3A : i32
      %convert_element_type3A = arith.extui %gt3A_74 : i1 to i32
      %cond3A = arith.constant 0 : i32
      %cond3A_75 = arith.cmpi ne, %convert_element_type3A, %cond3A : i32
      scf.if %cond3A_75 {
        %sub3A_200 = arith.constant 1 : i32
        %sub3A_201 = arith.subi %scan3A_73, %sub3A_200 : i32
        %mul3A_202 = arith.constant 1000 : i32
        %mul3A_203 = arith.muli %sub3A_201, %mul3A_202 : i32
        %mul3A_204 = arith.constant 1000 : i32
        %mul3A_205 = arith.muli %mul3A_203, %mul3A_204 : i32
        %mul3A_206 = arith.constant 1000 : i32
        %mul3A_207 = arith.muli %min3A_3, %mul3A_206 : i32
        %add3A_208 = arith.addi %mul3A_205, %mul3A_207 : i32
        %mul3A_209 = arith.constant 500 : i32
        %mul3A_210 = arith.muli %sub3A_201, %mul3A_209 : i32
        %mul3A_211 = arith.constant 500 : i32
        %mul3A_212 = arith.muli %mul3A_210, %mul3A_211 : i32
        %jit3A_213 = arith.constant 4 : i32
        %div3A_214 = arith.divsi %min3A_3, %jit3A_213 : i32
        %sign3A_215 = arith.constant 0 : i32
        %sign3A_216 = arith.cmpi sgt, %min3A_3, %sign3A_215 : i32
        %sign3A_217 = arith.extui %sign3A_216 : i1 to i32
        %sign3A_218 = arith.constant 0 : i32
        %sign3A_219 = arith.cmpi slt, %min3A_3, %sign3A_218 : i32
        %sign3A_220 = arith.extui %sign3A_219 : i1 to i32
        %sign3A_221 = arith.subi %sign3A_217, %sign3A_220 : i32
        %sign3A_222 = arith.constant 0 : i32
        %sign3A_223 = arith.cmpi sgt, %jit3A_213, %sign3A_222 : i32
        %sign3A_224 = arith.extui %sign3A_223 : i1 to i32
        %sign3A_225 = arith.constant 0 : i32
        %sign3A_226 = arith.cmpi slt, %jit3A_213, %sign3A_225 : i32
        %sign3A_227 = arith.extui %sign3A_226 : i1 to i32
        %sign3A_228 = arith.subi %sign3A_224, %sign3A_227 : i32
        %ne3A_229 = arith.cmpi ne, %sign3A_221, %sign3A_228 : i32
        %rem3A_230 = arith.remsi %min3A_3, %jit3A_213 : i32
        %ne3A_231 = arith.constant 0 : i32
        %ne3A_232 = arith.cmpi ne, %rem3A_230, %ne3A_231 : i32
        %and3A_233 = arith.andi %ne3A_229, %ne3A_232 : i1
        %sub3A_234 = arith.constant 1 : i32
        %sub3A_235 = arith.subi %div3A_214, %sub3A_234 : i32
        %select_n3A_236 = arith.select %and3A_233, %sub3A_235, %div3A_214 : i32
        %mul3A_237 = arith.constant 1000 : i32
        %mul3A_238 = arith.muli %select_n3A_236, %mul3A_237 : i32
        %add3A_239 = arith.addi %mul3A_212, %mul3A_238 : i32
        %mul3A_240 = arith.constant 250 : i32
        %mul3A_241 = arith.muli %sub3A_201, %mul3A_240 : i32
        %mul3A_242 = arith.constant 256 : i32
        %mul3A_243 = arith.muli %mul3A_241, %mul3A_242 : i32
        %jit3A_244 = arith.constant 4 : i32
        %div3A_245 = arith.divsi %min3A_3, %jit3A_244 : i32
        %sign3A_246 = arith.constant 0 : i32
        %sign3A_247 = arith.cmpi sgt, %min3A_3, %sign3A_246 : i32
        %sign3A_248 = arith.extui %sign3A_247 : i1 to i32
        %sign3A_249 = arith.constant 0 : i32
        %sign3A_250 = arith.cmpi slt, %min3A_3, %sign3A_249 : i32
        %sign3A_251 = arith.extui %sign3A_250 : i1 to i32
        %sign3A_252 = arith.subi %sign3A_248, %sign3A_251 : i32
        %sign3A_253 = arith.constant 0 : i32
        %sign3A_254 = arith.cmpi sgt, %jit3A_244, %sign3A_253 : i32
        %sign3A_255 = arith.extui %sign3A_254 : i1 to i32
        %sign3A_256 = arith.constant 0 : i32
        %sign3A_257 = arith.cmpi slt, %jit3A_244, %sign3A_256 : i32
        %sign3A_258 = arith.extui %sign3A_257 : i1 to i32
        %sign3A_259 = arith.subi %sign3A_255, %sign3A_258 : i32
        %ne3A_260 = arith.cmpi ne, %sign3A_252, %sign3A_259 : i32
        %rem3A_261 = arith.remsi %min3A_3, %jit3A_244 : i32
        %ne3A_262 = arith.constant 0 : i32
        %ne3A_263 = arith.cmpi ne, %rem3A_261, %ne3A_262 : i32
        %and3A_264 = arith.andi %ne3A_260, %ne3A_263 : i1
        %sub3A_265 = arith.constant 1 : i32
        %sub3A_266 = arith.subi %div3A_245, %sub3A_265 : i32
        %select_n3A_267 = arith.select %and3A_264, %sub3A_266, %div3A_245 : i32
        %mul3A_268 = arith.constant 256 : i32
        %mul3A_269 = arith.muli %select_n3A_267, %mul3A_268 : i32
        %add3A_270 = arith.addi %mul3A_243, %mul3A_269 : i32
        %dma_wait3A_271 = tpu.memref_slice %arg3[%add3A_208] : memref<10000000xf32, #tpu.memory_space<hbm>> -> memref<32000xf32, #tpu.memory_space<hbm>>
        %dma_wait3A_272 = tpu.memref_slice %arg3[%add3A_208] : memref<10000000xf32, #tpu.memory_space<hbm>> -> memref<32000xf32, #tpu.memory_space<hbm>>
        tpu.wait_dma2 semaphore(%arg11 : memref<!tpu.dma_semaphore, #tpu.memory_space<semaphore_mem>>) src(%arg7 : memref<32000xf32, #tpu.memory_space<vmem>>) dst(%dma_wait3A_272 : memref<32000xf32, #tpu.memory_space<hbm>>)
        %dma_wait3A_273 = tpu.memref_slice %arg4[%add3A_239] : memref<2500000xf32, #tpu.memory_space<hbm>> -> memref<8000xf32, #tpu.memory_space<hbm>>
        %dma_wait3A_274 = tpu.memref_slice %arg4[%add3A_239] : memref<2500000xf32, #tpu.memory_space<hbm>> -> memref<8000xf32, #tpu.memory_space<hbm>>
        tpu.wait_dma2 semaphore(%arg12 : memref<!tpu.dma_semaphore, #tpu.memory_space<semaphore_mem>>) src(%arg8 : memref<8000xf32, #tpu.memory_space<vmem>>) dst(%dma_wait3A_274 : memref<8000xf32, #tpu.memory_space<hbm>>)
        %dma_wait3A_275 = tpu.memref_slice %arg5[%add3A_270] : memref<640000xf32, #tpu.memory_space<hbm>> -> memref<2048xf32, #tpu.memory_space<hbm>>
        %dma_wait3A_276 = tpu.memref_slice %arg5[%add3A_270] : memref<640000xf32, #tpu.memory_space<hbm>> -> memref<2048xf32, #tpu.memory_space<hbm>>
        tpu.wait_dma2 semaphore(%arg13 : memref<!tpu.dma_semaphore, #tpu.memory_space<semaphore_mem>>) src(%arg9 : memref<2048xf32, #tpu.memory_space<vmem>>) dst(%dma_wait3A_276 : memref<2048xf32, #tpu.memory_space<hbm>>)
      } else {
      }
      %scan3A_76 = arith.constant 0 : i32
      %scan3A_77 = arith.constant 0 : i32
      %scan3A_78 = arith.constant 250 : i32
      %scan3A_79 = arith.addi %scan3A_77, %scan3A_78 : i32
      %scan3A_80 = arith.constant 1 : i32
      scf.for %scan3A_200 = %scan3A_77 to %scan3A_79 step %scan3A_80  : i32 {
        %mul3A_201 = arith.constant 128 : i32
        %mul3A_202 = arith.muli %scan3A_200, %mul3A_201 : i32
        %add3A_203 = arith.constant 0 : i32
        %add3A_204 = arith.addi %mul3A_202, %add3A_203 : i32
        %swap3A = arith.index_cast %add3A_204 : i32 to index
        %swap3A_205 = tpu.vector_load %arg7[%swap3A] {strides = array<i32>} : memref<32000xf32, #tpu.memory_space<vmem>>, vector<16xf32>,
        tpu.vector_store %arg7[%swap3A], %broadcast_in_dim3A_6 {strides = array<i32>} : memref<32000xf32, #tpu.memory_space<vmem>>, vector<16xf32>,
        %mul3A_206 = arith.constant 128 : i32
        %mul3A_207 = arith.muli %scan3A_200, %mul3A_206 : i32
        %add3A_208 = arith.constant 16 : i32
        %add3A_209 = arith.addi %mul3A_207, %add3A_208 : i32
        %swap3A_210 = arith.index_cast %add3A_209 : i32 to index
        %swap3A_211 = tpu.vector_load %arg7[%swap3A_210] {strides = array<i32>} : memref<32000xf32, #tpu.memory_space<vmem>>, vector<16xf32>,
        tpu.vector_store %arg7[%swap3A_210], %broadcast_in_dim3A_6 {strides = array<i32>} : memref<32000xf32, #tpu.memory_space<vmem>>, vector<16xf32>,
        %mul3A_212 = arith.constant 128 : i32
        %mul3A_213 = arith.muli %scan3A_200, %mul3A_212 : i32
        %add3A_214 = arith.constant 32 : i32
        %add3A_215 = arith.addi %mul3A_213, %add3A_214 : i32
        %swap3A_216 = arith.index_cast %add3A_215 : i32 to index
        %swap3A_217 = tpu.vector_load %arg7[%swap3A_216] {strides = array<i32>} : memref<32000xf32, #tpu.memory_space<vmem>>, vector<16xf32>,
        tpu.vector_store %arg7[%swap3A_216], %broadcast_in_dim3A_6 {strides = array<i32>} : memref<32000xf32, #tpu.memory_space<vmem>>, vector<16xf32>,
        %mul3A_218 = arith.constant 128 : i32
        %mul3A_219 = arith.muli %scan3A_200, %mul3A_218 : i32
        %add3A_220 = arith.constant 48 : i32
        %add3A_221 = arith.addi %mul3A_219, %add3A_220 : i32
        %swap3A_222 = arith.index_cast %add3A_221 : i32 to index
        %swap3A_223 = tpu.vector_load %arg7[%swap3A_222] {strides = array<i32>} : memref<32000xf32, #tpu.memory_space<vmem>>, vector<16xf32>,
        tpu.vector_store %arg7[%swap3A_222], %broadcast_in_dim3A_6 {strides = array<i32>} : memref<32000xf32, #tpu.memory_space<vmem>>, vector<16xf32>,
        %mul3A_224 = arith.constant 128 : i32
        %mul3A_225 = arith.muli %scan3A_200, %mul3A_224 : i32
        %add3A_226 = arith.constant 64 : i32
        %add3A_227 = arith.addi %mul3A_225, %add3A_226 : i32
        %swap3A_228 = arith.index_cast %add3A_227 : i32 to index
        %swap3A_229 = tpu.vector_load %arg7[%swap3A_228] {strides = array<i32>} : memref<32000xf32, #tpu.memory_space<vmem>>, vector<16xf32>,
        tpu.vector_store %arg7[%swap3A_228], %broadcast_in_dim3A_6 {strides = array<i32>} : memref<32000xf32, #tpu.memory_space<vmem>>, vector<16xf32>,
        %mul3A_230 = arith.constant 128 : i32
        %mul3A_231 = arith.muli %scan3A_200, %mul3A_230 : i32
        %add3A_232 = arith.constant 80 : i32
        %add3A_233 = arith.addi %mul3A_231, %add3A_232 : i32
        %swap3A_234 = arith.index_cast %add3A_233 : i32 to index
        %swap3A_235 = tpu.vector_load %arg7[%swap3A_234] {strides = array<i32>} : memref<32000xf32, #tpu.memory_space<vmem>>, vector<16xf32>,
        tpu.vector_store %arg7[%swap3A_234], %broadcast_in_dim3A_6 {strides = array<i32>} : memref<32000xf32, #tpu.memory_space<vmem>>, vector<16xf32>,
        %mul3A_236 = arith.constant 128 : i32
        %mul3A_237 = arith.muli %scan3A_200, %mul3A_236 : i32
        %add3A_238 = arith.constant 96 : i32
        %add3A_239 = arith.addi %mul3A_237, %add3A_238 : i32
        %swap3A_240 = arith.index_cast %add3A_239 : i32 to index
        %swap3A_241 = tpu.vector_load %arg7[%swap3A_240] {strides = array<i32>} : memref<32000xf32, #tpu.memory_space<vmem>>, vector<16xf32>,
        tpu.vector_store %arg7[%swap3A_240], %broadcast_in_dim3A_6 {strides = array<i32>} : memref<32000xf32, #tpu.memory_space<vmem>>, vector<16xf32>,
        %mul3A_242 = arith.constant 128 : i32
        %mul3A_243 = arith.muli %scan3A_200, %mul3A_242 : i32
        %add3A_244 = arith.constant 112 : i32
        %add3A_245 = arith.addi %mul3A_243, %add3A_244 : i32
        %swap3A_246 = arith.index_cast %add3A_245 : i32 to index
        %swap3A_247 = tpu.vector_load %arg7[%swap3A_246] {strides = array<i32>} : memref<32000xf32, #tpu.memory_space<vmem>>, vector<16xf32>,
        tpu.vector_store %arg7[%swap3A_246], %broadcast_in_dim3A_6 {strides = array<i32>} : memref<32000xf32, #tpu.memory_space<vmem>>, vector<16xf32>,
      }
      %scan3A_81 = arith.constant 250 : i32
      %scan3A_82 = arith.constant 0 : i32
      %scan3A_83 = arith.constant 0 : i32
      %scan3A_84 = arith.constant 500 : i32
      %scan3A_85 = arith.addi %scan3A_83, %scan3A_84 : i32
      %scan3A_86 = arith.constant 1 : i32
      scf.for %scan3A_200 = %scan3A_83 to %scan3A_85 step %scan3A_86  : i32 {
        %mul3A_201 = arith.constant 16 : i32
        %mul3A_202 = arith.muli %scan3A_200, %mul3A_201 : i32
        %add3A_203 = arith.constant 0 : i32
        %add3A_204 = arith.addi %mul3A_202, %add3A_203 : i32
        %swap3A = arith.index_cast %add3A_204 : i32 to index
        %swap3A_205 = tpu.vector_load %arg8[%swap3A] {strides = array<i32>} : memref<8000xf32, #tpu.memory_space<vmem>>, vector<16xf32>,
        tpu.vector_store %arg8[%swap3A], %broadcast_in_dim3A_6 {strides = array<i32>} : memref<8000xf32, #tpu.memory_space<vmem>>, vector<16xf32>,
      }
      %scan3A_87 = arith.constant 500 : i32
      %scan3A_88 = arith.constant 0 : i32
      %scan3A_89 = arith.constant 0 : i32
      %scan3A_90 = arith.constant 16 : i32
      %scan3A_91 = arith.addi %scan3A_89, %scan3A_90 : i32
      %scan3A_92 = arith.constant 1 : i32
      scf.for %scan3A_200 = %scan3A_89 to %scan3A_91 step %scan3A_92  : i32 {
        %mul3A_201 = arith.constant 128 : i32
        %mul3A_202 = arith.muli %scan3A_200, %mul3A_201 : i32
        %add3A_203 = arith.constant 0 : i32
        %add3A_204 = arith.addi %mul3A_202, %add3A_203 : i32
        %swap3A = arith.index_cast %add3A_204 : i32 to index
        %swap3A_205 = tpu.vector_load %arg9[%swap3A] {strides = array<i32>} : memref<2048xf32, #tpu.memory_space<vmem>>, vector<16xf32>,
        tpu.vector_store %arg9[%swap3A], %broadcast_in_dim3A_6 {strides = array<i32>} : memref<2048xf32, #tpu.memory_space<vmem>>, vector<16xf32>,
        %mul3A_206 = arith.constant 128 : i32
        %mul3A_207 = arith.muli %scan3A_200, %mul3A_206 : i32
        %add3A_208 = arith.constant 16 : i32
        %add3A_209 = arith.addi %mul3A_207, %add3A_208 : i32
        %swap3A_210 = arith.index_cast %add3A_209 : i32 to index
        %swap3A_211 = tpu.vector_load %arg9[%swap3A_210] {strides = array<i32>} : memref<2048xf32, #tpu.memory_space<vmem>>, vector<16xf32>,
        tpu.vector_store %arg9[%swap3A_210], %broadcast_in_dim3A_6 {strides = array<i32>} : memref<2048xf32, #tpu.memory_space<vmem>>, vector<16xf32>,
        %mul3A_212 = arith.constant 128 : i32
        %mul3A_213 = arith.muli %scan3A_200, %mul3A_212 : i32
        %add3A_214 = arith.constant 32 : i32
        %add3A_215 = arith.addi %mul3A_213, %add3A_214 : i32
        %swap3A_216 = arith.index_cast %add3A_215 : i32 to index
        %swap3A_217 = tpu.vector_load %arg9[%swap3A_216] {strides = array<i32>} : memref<2048xf32, #tpu.memory_space<vmem>>, vector<16xf32>,
        tpu.vector_store %arg9[%swap3A_216], %broadcast_in_dim3A_6 {strides = array<i32>} : memref<2048xf32, #tpu.memory_space<vmem>>, vector<16xf32>,
        %mul3A_218 = arith.constant 128 : i32
        %mul3A_219 = arith.muli %scan3A_200, %mul3A_218 : i32
        %add3A_220 = arith.constant 48 : i32
        %add3A_221 = arith.addi %mul3A_219, %add3A_220 : i32
        %swap3A_222 = arith.index_cast %add3A_221 : i32 to index
        %swap3A_223 = tpu.vector_load %arg9[%swap3A_222] {strides = array<i32>} : memref<2048xf32, #tpu.memory_space<vmem>>, vector<16xf32>,
        tpu.vector_store %arg9[%swap3A_222], %broadcast_in_dim3A_6 {strides = array<i32>} : memref<2048xf32, #tpu.memory_space<vmem>>, vector<16xf32>,
        %mul3A_224 = arith.constant 128 : i32
        %mul3A_225 = arith.muli %scan3A_200, %mul3A_224 : i32
        %add3A_226 = arith.constant 64 : i32
        %add3A_227 = arith.addi %mul3A_225, %add3A_226 : i32
        %swap3A_228 = arith.index_cast %add3A_227 : i32 to index
        %swap3A_229 = tpu.vector_load %arg9[%swap3A_228] {strides = array<i32>} : memref<2048xf32, #tpu.memory_space<vmem>>, vector<16xf32>,
        tpu.vector_store %arg9[%swap3A_228], %broadcast_in_dim3A_6 {strides = array<i32>} : memref<2048xf32, #tpu.memory_space<vmem>>, vector<16xf32>,
        %mul3A_230 = arith.constant 128 : i32
        %mul3A_231 = arith.muli %scan3A_200, %mul3A_230 : i32
        %add3A_232 = arith.constant 80 : i32
        %add3A_233 = arith.addi %mul3A_231, %add3A_232 : i32
        %swap3A_234 = arith.index_cast %add3A_233 : i32 to index
        %swap3A_235 = tpu.vector_load %arg9[%swap3A_234] {strides = array<i32>} : memref<2048xf32, #tpu.memory_space<vmem>>, vector<16xf32>,
        tpu.vector_store %arg9[%swap3A_234], %broadcast_in_dim3A_6 {strides = array<i32>} : memref<2048xf32, #tpu.memory_space<vmem>>, vector<16xf32>,
        %mul3A_236 = arith.constant 128 : i32
        %mul3A_237 = arith.muli %scan3A_200, %mul3A_236 : i32
        %add3A_238 = arith.constant 96 : i32
        %add3A_239 = arith.addi %mul3A_237, %add3A_238 : i32
        %swap3A_240 = arith.index_cast %add3A_239 : i32 to index
        %swap3A_241 = tpu.vector_load %arg9[%swap3A_240] {strides = array<i32>} : memref<2048xf32, #tpu.memory_space<vmem>>, vector<16xf32>,
        tpu.vector_store %arg9[%swap3A_240], %broadcast_in_dim3A_6 {strides = array<i32>} : memref<2048xf32, #tpu.memory_space<vmem>>, vector<16xf32>,
        %mul3A_242 = arith.constant 128 : i32
        %mul3A_243 = arith.muli %scan3A_200, %mul3A_242 : i32
        %add3A_244 = arith.constant 112 : i32
        %add3A_245 = arith.addi %mul3A_243, %add3A_244 : i32
        %swap3A_246 = arith.index_cast %add3A_245 : i32 to index
        %swap3A_247 = tpu.vector_load %arg9[%swap3A_246] {strides = array<i32>} : memref<2048xf32, #tpu.memory_space<vmem>>, vector<16xf32>,
        tpu.vector_store %arg9[%swap3A_246], %broadcast_in_dim3A_6 {strides = array<i32>} : memref<2048xf32, #tpu.memory_space<vmem>>, vector<16xf32>,
      }
      %scan3A_93 = arith.constant 16 : i32
      %iota3A = tpu.iota {dimensions = array<i32: 0>} : vector<16xi32>
      %add3A_94 = arith.constant 0 : i32
      %add3A_95 = vector.broadcast %add3A_94 : i32 to vector<16xi32>
      %add3A_96 = arith.addi %iota3A, %add3A_95 : vector<16xi32>
      %mul3A_97 = arith.constant 1001 : i32
      %mul3A_98 = vector.broadcast %mul3A_97 : i32 to vector<16xi32>
      %mul3A_99 = arith.muli %add3A_96, %mul3A_98 : vector<16xi32>
      %add3A_100 = vector.broadcast %min3A_3 : i32 to vector<16xi32>
      %add3A_101 = arith.addi %mul3A_99, %add3A_100 : vector<16xi32>
      tpu.vector_store_idx %arg7[%add3A_101], %broadcast_in_dim3A_4 {add = true} : memref<32000xf32, #tpu.memory_space<vmem>>[vector<16xi32>], vector<16xf32>,
      %iota3A_102 = tpu.iota {dimensions = array<i32: 0>} : vector<16xi32>
      %add3A_103 = arith.constant 16 : i32
      %add3A_104 = vector.broadcast %add3A_103 : i32 to vector<16xi32>
      %add3A_105 = arith.addi %iota3A_102, %add3A_104 : vector<16xi32>
      %mul3A_106 = arith.constant 1001 : i32
      %mul3A_107 = vector.broadcast %mul3A_106 : i32 to vector<16xi32>
      %mul3A_108 = arith.muli %add3A_105, %mul3A_107 : vector<16xi32>
      %add3A_109 = vector.broadcast %min3A_3 : i32 to vector<16xi32>
      %add3A_110 = arith.addi %mul3A_108, %add3A_109 : vector<16xi32>
      tpu.vector_store_idx %arg7[%add3A_110], %broadcast_in_dim3A_4 {add = true} : memref<32000xf32, #tpu.memory_space<vmem>>[vector<16xi32>], vector<16xf32>,
      %mul3A_111 = arith.constant 32000 : i32
      %mul3A_112 = arith.muli %scan3A_73, %mul3A_111 : i32
      %dma_wait3A_113 = tpu.memref_slice %arg2[%mul3A_112] : memref<320000xi32, #tpu.memory_space<hbm>> -> memref<32000xi32, #tpu.memory_space<hbm>>
      %dma_wait3A_114 = tpu.memref_slice %arg2[%mul3A_112] : memref<320000xi32, #tpu.memory_space<hbm>> -> memref<32000xi32, #tpu.memory_space<hbm>>
      tpu.wait_dma2 semaphore(%arg10 : memref<!tpu.dma_semaphore, #tpu.memory_space<semaphore_mem>>) src(%dma_wait3A_114 : memref<32000xi32, #tpu.memory_space<hbm>>) dst(%arg6 : memref<32000xi32, #tpu.memory_space<vmem>>)
      %scan3A_115 = arith.constant 0 : i32
      %scan3A_116 = arith.constant 0 : i32
      %scan3A_117 = arith.constant 250 : i32
      %scan3A_118 = arith.addi %scan3A_116, %scan3A_117 : i32
      %scan3A_119 = arith.constant 1 : i32
      scf.for %scan3A_200 = %scan3A_116 to %scan3A_118 step %scan3A_119  : i32 {
        %mul3A_201 = arith.constant 128 : i32
        %mul3A_202 = arith.muli %scan3A_200, %mul3A_201 : i32
        %add3A_203 = arith.constant 0 : i32
        %add3A_204 = arith.addi %mul3A_202, %add3A_203 : i32
        %get3A = arith.index_cast %add3A_204 : i32 to index
        %get3A_205 = tpu.vector_load %arg6[%get3A] {strides = array<i32>} : memref<32000xi32, #tpu.memory_space<vmem>>, vector<16xi32>,
        %and3A_206 = arith.constant 1023 : i32
        %and3A_207 = vector.broadcast %and3A_206 : i32 to vector<16xi32>
        %and3A_208 = arith.andi %get3A_205, %and3A_207 : vector<16xi32>
        %shift_right_logical3A = arith.constant 10 : i32
        %shift_right_logical3A_209 = vector.broadcast %shift_right_logical3A : i32 to vector<16xi32>
        %shift_right_logical3A_210 = arith.shrui %get3A_205, %shift_right_logical3A_209 : vector<16xi32>
        %sub3A_211 = vector.broadcast %min3A_3 : i32 to vector<16xi32>
        %sub3A_212 = arith.subi %shift_right_logical3A_210, %sub3A_211 : vector<16xi32>
        %bitcast3A = vector.bitcast %sub3A_212 : vector<16xi32> to vector<16xi32>
        %lt3A_213 = vector.broadcast %scan3A_10 : i32 to vector<16xi32>
        %lt3A_214 = arith.cmpi ult, %bitcast3A, %lt3A_213 : vector<16xi32>
        %mul3A_215 = arith.constant 1000 : i32
        %mul3A_216 = vector.broadcast %mul3A_215 : i32 to vector<16xi32>
        %mul3A_217 = arith.muli %sub3A_212, %mul3A_216 : vector<16xi32>
        %add3A_218 = arith.addi %mul3A_217, %and3A_208 : vector<16xi32>
        tpu.vector_store_idx %arg7[%add3A_218], %broadcast_in_dim3A_4 masked %lt3A_214 {add = true} : memref<32000xf32, #tpu.memory_space<vmem>>[vector<16xi32>], vector<16xf32>, vector<16xi1>
        %shift_right_logical3A_219 = arith.constant 1 : i32
        %shift_right_logical3A_220 = vector.broadcast %shift_right_logical3A_219 : i32 to vector<16xi32>
        %shift_right_logical3A_221 = arith.shrui %sub3A_212, %shift_right_logical3A_220 : vector<16xi32>
        %shift_right_logical3A_222 = arith.constant 1 : i32
        %shift_right_logical3A_223 = vector.broadcast %shift_right_logical3A_222 : i32 to vector<16xi32>
        %shift_right_logical3A_224 = arith.shrui %and3A_208, %shift_right_logical3A_223 : vector<16xi32>
        %mul3A_225 = arith.constant 500 : i32
        %mul3A_226 = vector.broadcast %mul3A_225 : i32 to vector<16xi32>
        %mul3A_227 = arith.muli %shift_right_logical3A_221, %mul3A_226 : vector<16xi32>
        %add3A_228 = arith.addi %mul3A_227, %shift_right_logical3A_224 : vector<16xi32>
        tpu.vector_store_idx %arg8[%add3A_228], %broadcast_in_dim3A_4 masked %lt3A_214 {add = true} : memref<8000xf32, #tpu.memory_space<vmem>>[vector<16xi32>], vector<16xf32>, vector<16xi1>
        %shift_right_logical3A_229 = arith.constant 2 : i32
        %shift_right_logical3A_230 = vector.broadcast %shift_right_logical3A_229 : i32 to vector<16xi32>
        %shift_right_logical3A_231 = arith.shrui %sub3A_212, %shift_right_logical3A_230 : vector<16xi32>
        %shift_right_logical3A_232 = arith.constant 2 : i32
        %shift_right_logical3A_233 = vector.broadcast %shift_right_logical3A_232 : i32 to vector<16xi32>
        %shift_right_logical3A_234 = arith.shrui %and3A_208, %shift_right_logical3A_233 : vector<16xi32>
        %mul3A_235 = arith.constant 256 : i32
        %mul3A_236 = vector.broadcast %mul3A_235 : i32 to vector<16xi32>
        %mul3A_237 = arith.muli %shift_right_logical3A_231, %mul3A_236 : vector<16xi32>
        %add3A_238 = arith.addi %mul3A_237, %shift_right_logical3A_234 : vector<16xi32>
        tpu.vector_store_idx %arg9[%add3A_238], %broadcast_in_dim3A_4 masked %lt3A_214 {add = true} : memref<2048xf32, #tpu.memory_space<vmem>>[vector<16xi32>], vector<16xf32>, vector<16xi1>
        %mul3A_239 = arith.constant 128 : i32
        %mul3A_240 = arith.muli %scan3A_200, %mul3A_239 : i32
        %add3A_241 = arith.constant 16 : i32
        %add3A_242 = arith.addi %mul3A_240, %add3A_241 : i32
        %get3A_243 = arith.index_cast %add3A_242 : i32 to index
        %get3A_244 = tpu.vector_load %arg6[%get3A_243] {strides = array<i32>} : memref<32000xi32, #tpu.memory_space<vmem>>, vector<16xi32>,
        %and3A_245 = arith.constant 1023 : i32
        %and3A_246 = vector.broadcast %and3A_245 : i32 to vector<16xi32>
        %and3A_247 = arith.andi %get3A_244, %and3A_246 : vector<16xi32>
        %shift_right_logical3A_248 = arith.constant 10 : i32
        %shift_right_logical3A_249 = vector.broadcast %shift_right_logical3A_248 : i32 to vector<16xi32>
        %shift_right_logical3A_250 = arith.shrui %get3A_244, %shift_right_logical3A_249 : vector<16xi32>
        %sub3A_251 = vector.broadcast %min3A_3 : i32 to vector<16xi32>
        %sub3A_252 = arith.subi %shift_right_logical3A_250, %sub3A_251 : vector<16xi32>
        %bitcast3A_253 = vector.bitcast %sub3A_252 : vector<16xi32> to vector<16xi32>
        %lt3A_254 = vector.broadcast %scan3A_10 : i32 to vector<16xi32>
        %lt3A_255 = arith.cmpi ult, %bitcast3A_253, %lt3A_254 : vector<16xi32>
        %mul3A_256 = arith.constant 1000 : i32
        %mul3A_257 = vector.broadcast %mul3A_256 : i32 to vector<16xi32>
        %mul3A_258 = arith.muli %sub3A_252, %mul3A_257 : vector<16xi32>
        %add3A_259 = arith.addi %mul3A_258, %and3A_247 : vector<16xi32>
        tpu.vector_store_idx %arg7[%add3A_259], %broadcast_in_dim3A_4 masked %lt3A_255 {add = true} : memref<32000xf32, #tpu.memory_space<vmem>>[vector<16xi32>], vector<16xf32>, vector<16xi1>
        %shift_right_logical3A_260 = arith.constant 1 : i32
        %shift_right_logical3A_261 = vector.broadcast %shift_right_logical3A_260 : i32 to vector<16xi32>
        %shift_right_logical3A_262 = arith.shrui %sub3A_252, %shift_right_logical3A_261 : vector<16xi32>
        %shift_right_logical3A_263 = arith.constant 1 : i32
        %shift_right_logical3A_264 = vector.broadcast %shift_right_logical3A_263 : i32 to vector<16xi32>
        %shift_right_logical3A_265 = arith.shrui %and3A_247, %shift_right_logical3A_264 : vector<16xi32>
        %mul3A_266 = arith.constant 500 : i32
        %mul3A_267 = vector.broadcast %mul3A_266 : i32 to vector<16xi32>
        %mul3A_268 = arith.muli %shift_right_logical3A_262, %mul3A_267 : vector<16xi32>
        %add3A_269 = arith.addi %mul3A_268, %shift_right_logical3A_265 : vector<16xi32>
        tpu.vector_store_idx %arg8[%add3A_269], %broadcast_in_dim3A_4 masked %lt3A_255 {add = true} : memref<8000xf32, #tpu.memory_space<vmem>>[vector<16xi32>], vector<16xf32>, vector<16xi1>
        %shift_right_logical3A_270 = arith.constant 2 : i32
        %shift_right_logical3A_271 = vector.broadcast %shift_right_logical3A_270 : i32 to vector<16xi32>
        %shift_right_logical3A_272 = arith.shrui %sub3A_252, %shift_right_logical3A_271 : vector<16xi32>
        %shift_right_logical3A_273 = arith.constant 2 : i32
        %shift_right_logical3A_274 = vector.broadcast %shift_right_logical3A_273 : i32 to vector<16xi32>
        %shift_right_logical3A_275 = arith.shrui %and3A_247, %shift_right_logical3A_274 : vector<16xi32>
        %mul3A_276 = arith.constant 256 : i32
        %mul3A_277 = vector.broadcast %mul3A_276 : i32 to vector<16xi32>
        %mul3A_278 = arith.muli %shift_right_logical3A_272, %mul3A_277 : vector<16xi32>
        %add3A_279 = arith.addi %mul3A_278, %shift_right_logical3A_275 : vector<16xi32>
        tpu.vector_store_idx %arg9[%add3A_279], %broadcast_in_dim3A_4 masked %lt3A_255 {add = true} : memref<2048xf32, #tpu.memory_space<vmem>>[vector<16xi32>], vector<16xf32>, vector<16xi1>
        %mul3A_280 = arith.constant 128 : i32
        %mul3A_281 = arith.muli %scan3A_200, %mul3A_280 : i32
        %add3A_282 = arith.constant 32 : i32
        %add3A_283 = arith.addi %mul3A_281, %add3A_282 : i32
        %get3A_284 = arith.index_cast %add3A_283 : i32 to index
        %get3A_285 = tpu.vector_load %arg6[%get3A_284] {strides = array<i32>} : memref<32000xi32, #tpu.memory_space<vmem>>, vector<16xi32>,
        %and3A_286 = arith.constant 1023 : i32
        %and3A_287 = vector.broadcast %and3A_286 : i32 to vector<16xi32>
        %and3A_288 = arith.andi %get3A_285, %and3A_287 : vector<16xi32>
        %shift_right_logical3A_289 = arith.constant 10 : i32
        %shift_right_logical3A_290 = vector.broadcast %shift_right_logical3A_289 : i32 to vector<16xi32>
        %shift_right_logical3A_291 = arith.shrui %get3A_285, %shift_right_logical3A_290 : vector<16xi32>
        %sub3A_292 = vector.broadcast %min3A_3 : i32 to vector<16xi32>
        %sub3A_293 = arith.subi %shift_right_logical3A_291, %sub3A_292 : vector<16xi32>
        %bitcast3A_294 = vector.bitcast %sub3A_293 : vector<16xi32> to vector<16xi32>
        %lt3A_295 = vector.broadcast %scan3A_10 : i32 to vector<16xi32>
        %lt3A_296 = arith.cmpi ult, %bitcast3A_294, %lt3A_295 : vector<16xi32>
        %mul3A_297 = arith.constant 1000 : i32
        %mul3A_298 = vector.broadcast %mul3A_297 : i32 to vector<16xi32>
        %mul3A_299 = arith.muli %sub3A_293, %mul3A_298 : vector<16xi32>
        %add3A_300 = arith.addi %mul3A_299, %and3A_288 : vector<16xi32>
        tpu.vector_store_idx %arg7[%add3A_300], %broadcast_in_dim3A_4 masked %lt3A_296 {add = true} : memref<32000xf32, #tpu.memory_space<vmem>>[vector<16xi32>], vector<16xf32>, vector<16xi1>
        %shift_right_logical3A_301 = arith.constant 1 : i32
        %shift_right_logical3A_302 = vector.broadcast %shift_right_logical3A_301 : i32 to vector<16xi32>
        %shift_right_logical3A_303 = arith.shrui %sub3A_293, %shift_right_logical3A_302 : vector<16xi32>
        %shift_right_logical3A_304 = arith.constant 1 : i32
        %shift_right_logical3A_305 = vector.broadcast %shift_right_logical3A_304 : i32 to vector<16xi32>
        %shift_right_logical3A_306 = arith.shrui %and3A_288, %shift_right_logical3A_305 : vector<16xi32>
        %mul3A_307 = arith.constant 500 : i32
        %mul3A_308 = vector.broadcast %mul3A_307 : i32 to vector<16xi32>
        %mul3A_309 = arith.muli %shift_right_logical3A_303, %mul3A_308 : vector<16xi32>
        %add3A_310 = arith.addi %mul3A_309, %shift_right_logical3A_306 : vector<16xi32>
        tpu.vector_store_idx %arg8[%add3A_310], %broadcast_in_dim3A_4 masked %lt3A_296 {add = true} : memref<8000xf32, #tpu.memory_space<vmem>>[vector<16xi32>], vector<16xf32>, vector<16xi1>
        %shift_right_logical3A_311 = arith.constant 2 : i32
        %shift_right_logical3A_312 = vector.broadcast %shift_right_logical3A_311 : i32 to vector<16xi32>
        %shift_right_logical3A_313 = arith.shrui %sub3A_293, %shift_right_logical3A_312 : vector<16xi32>
        %shift_right_logical3A_314 = arith.constant 2 : i32
        %shift_right_logical3A_315 = vector.broadcast %shift_right_logical3A_314 : i32 to vector<16xi32>
        %shift_right_logical3A_316 = arith.shrui %and3A_288, %shift_right_logical3A_315 : vector<16xi32>
        %mul3A_317 = arith.constant 256 : i32
        %mul3A_318 = vector.broadcast %mul3A_317 : i32 to vector<16xi32>
        %mul3A_319 = arith.muli %shift_right_logical3A_313, %mul3A_318 : vector<16xi32>
        %add3A_320 = arith.addi %mul3A_319, %shift_right_logical3A_316 : vector<16xi32>
        tpu.vector_store_idx %arg9[%add3A_320], %broadcast_in_dim3A_4 masked %lt3A_296 {add = true} : memref<2048xf32, #tpu.memory_space<vmem>>[vector<16xi32>], vector<16xf32>, vector<16xi1>
        %mul3A_321 = arith.constant 128 : i32
        %mul3A_322 = arith.muli %scan3A_200, %mul3A_321 : i32
        %add3A_323 = arith.constant 48 : i32
        %add3A_324 = arith.addi %mul3A_322, %add3A_323 : i32
        %get3A_325 = arith.index_cast %add3A_324 : i32 to index
        %get3A_326 = tpu.vector_load %arg6[%get3A_325] {strides = array<i32>} : memref<32000xi32, #tpu.memory_space<vmem>>, vector<16xi32>,
        %and3A_327 = arith.constant 1023 : i32
        %and3A_328 = vector.broadcast %and3A_327 : i32 to vector<16xi32>
        %and3A_329 = arith.andi %get3A_326, %and3A_328 : vector<16xi32>
        %shift_right_logical3A_330 = arith.constant 10 : i32
        %shift_right_logical3A_331 = vector.broadcast %shift_right_logical3A_330 : i32 to vector<16xi32>
        %shift_right_logical3A_332 = arith.shrui %get3A_326, %shift_right_logical3A_331 : vector<16xi32>
        %sub3A_333 = vector.broadcast %min3A_3 : i32 to vector<16xi32>
        %sub3A_334 = arith.subi %shift_right_logical3A_332, %sub3A_333 : vector<16xi32>
        %bitcast3A_335 = vector.bitcast %sub3A_334 : vector<16xi32> to vector<16xi32>
        %lt3A_336 = vector.broadcast %scan3A_10 : i32 to vector<16xi32>
        %lt3A_337 = arith.cmpi ult, %bitcast3A_335, %lt3A_336 : vector<16xi32>
        %mul3A_338 = arith.constant 1000 : i32
        %mul3A_339 = vector.broadcast %mul3A_338 : i32 to vector<16xi32>
        %mul3A_340 = arith.muli %sub3A_334, %mul3A_339 : vector<16xi32>
        %add3A_341 = arith.addi %mul3A_340, %and3A_329 : vector<16xi32>
        tpu.vector_store_idx %arg7[%add3A_341], %broadcast_in_dim3A_4 masked %lt3A_337 {add = true} : memref<32000xf32, #tpu.memory_space<vmem>>[vector<16xi32>], vector<16xf32>, vector<16xi1>
        %shift_right_logical3A_342 = arith.constant 1 : i32
        %shift_right_logical3A_343 = vector.broadcast %shift_right_logical3A_342 : i32 to vector<16xi32>
        %shift_right_logical3A_344 = arith.shrui %sub3A_334, %shift_right_logical3A_343 : vector<16xi32>
        %shift_right_logical3A_345 = arith.constant 1 : i32
        %shift_right_logical3A_346 = vector.broadcast %shift_right_logical3A_345 : i32 to vector<16xi32>
        %shift_right_logical3A_347 = arith.shrui %and3A_329, %shift_right_logical3A_346 : vector<16xi32>
        %mul3A_348 = arith.constant 500 : i32
        %mul3A_349 = vector.broadcast %mul3A_348 : i32 to vector<16xi32>
        %mul3A_350 = arith.muli %shift_right_logical3A_344, %mul3A_349 : vector<16xi32>
        %add3A_351 = arith.addi %mul3A_350, %shift_right_logical3A_347 : vector<16xi32>
        tpu.vector_store_idx %arg8[%add3A_351], %broadcast_in_dim3A_4 masked %lt3A_337 {add = true} : memref<8000xf32, #tpu.memory_space<vmem>>[vector<16xi32>], vector<16xf32>, vector<16xi1>
        %shift_right_logical3A_352 = arith.constant 2 : i32
        %shift_right_logical3A_353 = vector.broadcast %shift_right_logical3A_352 : i32 to vector<16xi32>
        %shift_right_logical3A_354 = arith.shrui %sub3A_334, %shift_right_logical3A_353 : vector<16xi32>
        %shift_right_logical3A_355 = arith.constant 2 : i32
        %shift_right_logical3A_356 = vector.broadcast %shift_right_logical3A_355 : i32 to vector<16xi32>
        %shift_right_logical3A_357 = arith.shrui %and3A_329, %shift_right_logical3A_356 : vector<16xi32>
        %mul3A_358 = arith.constant 256 : i32
        %mul3A_359 = vector.broadcast %mul3A_358 : i32 to vector<16xi32>
        %mul3A_360 = arith.muli %shift_right_logical3A_354, %mul3A_359 : vector<16xi32>
        %add3A_361 = arith.addi %mul3A_360, %shift_right_logical3A_357 : vector<16xi32>
        tpu.vector_store_idx %arg9[%add3A_361], %broadcast_in_dim3A_4 masked %lt3A_337 {add = true} : memref<2048xf32, #tpu.memory_space<vmem>>[vector<16xi32>], vector<16xf32>, vector<16xi1>
        %mul3A_362 = arith.constant 128 : i32
        %mul3A_363 = arith.muli %scan3A_200, %mul3A_362 : i32
        %add3A_364 = arith.constant 64 : i32
        %add3A_365 = arith.addi %mul3A_363, %add3A_364 : i32
        %get3A_366 = arith.index_cast %add3A_365 : i32 to index
        %get3A_367 = tpu.vector_load %arg6[%get3A_366] {strides = array<i32>} : memref<32000xi32, #tpu.memory_space<vmem>>, vector<16xi32>,
        %and3A_368 = arith.constant 1023 : i32
        %and3A_369 = vector.broadcast %and3A_368 : i32 to vector<16xi32>
        %and3A_370 = arith.andi %get3A_367, %and3A_369 : vector<16xi32>
        %shift_right_logical3A_371 = arith.constant 10 : i32
        %shift_right_logical3A_372 = vector.broadcast %shift_right_logical3A_371 : i32 to vector<16xi32>
        %shift_right_logical3A_373 = arith.shrui %get3A_367, %shift_right_logical3A_372 : vector<16xi32>
        %sub3A_374 = vector.broadcast %min3A_3 : i32 to vector<16xi32>
        %sub3A_375 = arith.subi %shift_right_logical3A_373, %sub3A_374 : vector<16xi32>
        %bitcast3A_376 = vector.bitcast %sub3A_375 : vector<16xi32> to vector<16xi32>
        %lt3A_377 = vector.broadcast %scan3A_10 : i32 to vector<16xi32>
        %lt3A_378 = arith.cmpi ult, %bitcast3A_376, %lt3A_377 : vector<16xi32>
        %mul3A_379 = arith.constant 1000 : i32
        %mul3A_380 = vector.broadcast %mul3A_379 : i32 to vector<16xi32>
        %mul3A_381 = arith.muli %sub3A_375, %mul3A_380 : vector<16xi32>
        %add3A_382 = arith.addi %mul3A_381, %and3A_370 : vector<16xi32>
        tpu.vector_store_idx %arg7[%add3A_382], %broadcast_in_dim3A_4 masked %lt3A_378 {add = true} : memref<32000xf32, #tpu.memory_space<vmem>>[vector<16xi32>], vector<16xf32>, vector<16xi1>
        %shift_right_logical3A_383 = arith.constant 1 : i32
        %shift_right_logical3A_384 = vector.broadcast %shift_right_logical3A_383 : i32 to vector<16xi32>
        %shift_right_logical3A_385 = arith.shrui %sub3A_375, %shift_right_logical3A_384 : vector<16xi32>
        %shift_right_logical3A_386 = arith.constant 1 : i32
        %shift_right_logical3A_387 = vector.broadcast %shift_right_logical3A_386 : i32 to vector<16xi32>
        %shift_right_logical3A_388 = arith.shrui %and3A_370, %shift_right_logical3A_387 : vector<16xi32>
        %mul3A_389 = arith.constant 500 : i32
        %mul3A_390 = vector.broadcast %mul3A_389 : i32 to vector<16xi32>
        %mul3A_391 = arith.muli %shift_right_logical3A_385, %mul3A_390 : vector<16xi32>
        %add3A_392 = arith.addi %mul3A_391, %shift_right_logical3A_388 : vector<16xi32>
        tpu.vector_store_idx %arg8[%add3A_392], %broadcast_in_dim3A_4 masked %lt3A_378 {add = true} : memref<8000xf32, #tpu.memory_space<vmem>>[vector<16xi32>], vector<16xf32>, vector<16xi1>
        %shift_right_logical3A_393 = arith.constant 2 : i32
        %shift_right_logical3A_394 = vector.broadcast %shift_right_logical3A_393 : i32 to vector<16xi32>
        %shift_right_logical3A_395 = arith.shrui %sub3A_375, %shift_right_logical3A_394 : vector<16xi32>
        %shift_right_logical3A_396 = arith.constant 2 : i32
        %shift_right_logical3A_397 = vector.broadcast %shift_right_logical3A_396 : i32 to vector<16xi32>
        %shift_right_logical3A_398 = arith.shrui %and3A_370, %shift_right_logical3A_397 : vector<16xi32>
        %mul3A_399 = arith.constant 256 : i32
        %mul3A_400 = vector.broadcast %mul3A_399 : i32 to vector<16xi32>
        %mul3A_401 = arith.muli %shift_right_logical3A_395, %mul3A_400 : vector<16xi32>
        %add3A_402 = arith.addi %mul3A_401, %shift_right_logical3A_398 : vector<16xi32>
        tpu.vector_store_idx %arg9[%add3A_402], %broadcast_in_dim3A_4 masked %lt3A_378 {add = true} : memref<2048xf32, #tpu.memory_space<vmem>>[vector<16xi32>], vector<16xf32>, vector<16xi1>
        %mul3A_403 = arith.constant 128 : i32
        %mul3A_404 = arith.muli %scan3A_200, %mul3A_403 : i32
        %add3A_405 = arith.constant 80 : i32
        %add3A_406 = arith.addi %mul3A_404, %add3A_405 : i32
        %get3A_407 = arith.index_cast %add3A_406 : i32 to index
        %get3A_408 = tpu.vector_load %arg6[%get3A_407] {strides = array<i32>} : memref<32000xi32, #tpu.memory_space<vmem>>, vector<16xi32>,
        %and3A_409 = arith.constant 1023 : i32
        %and3A_410 = vector.broadcast %and3A_409 : i32 to vector<16xi32>
        %and3A_411 = arith.andi %get3A_408, %and3A_410 : vector<16xi32>
        %shift_right_logical3A_412 = arith.constant 10 : i32
        %shift_right_logical3A_413 = vector.broadcast %shift_right_logical3A_412 : i32 to vector<16xi32>
        %shift_right_logical3A_414 = arith.shrui %get3A_408, %shift_right_logical3A_413 : vector<16xi32>
        %sub3A_415 = vector.broadcast %min3A_3 : i32 to vector<16xi32>
        %sub3A_416 = arith.subi %shift_right_logical3A_414, %sub3A_415 : vector<16xi32>
        %bitcast3A_417 = vector.bitcast %sub3A_416 : vector<16xi32> to vector<16xi32>
        %lt3A_418 = vector.broadcast %scan3A_10 : i32 to vector<16xi32>
        %lt3A_419 = arith.cmpi ult, %bitcast3A_417, %lt3A_418 : vector<16xi32>
        %mul3A_420 = arith.constant 1000 : i32
        %mul3A_421 = vector.broadcast %mul3A_420 : i32 to vector<16xi32>
        %mul3A_422 = arith.muli %sub3A_416, %mul3A_421 : vector<16xi32>
        %add3A_423 = arith.addi %mul3A_422, %and3A_411 : vector<16xi32>
        tpu.vector_store_idx %arg7[%add3A_423], %broadcast_in_dim3A_4 masked %lt3A_419 {add = true} : memref<32000xf32, #tpu.memory_space<vmem>>[vector<16xi32>], vector<16xf32>, vector<16xi1>
        %shift_right_logical3A_424 = arith.constant 1 : i32
        %shift_right_logical3A_425 = vector.broadcast %shift_right_logical3A_424 : i32 to vector<16xi32>
        %shift_right_logical3A_426 = arith.shrui %sub3A_416, %shift_right_logical3A_425 : vector<16xi32>
        %shift_right_logical3A_427 = arith.constant 1 : i32
        %shift_right_logical3A_428 = vector.broadcast %shift_right_logical3A_427 : i32 to vector<16xi32>
        %shift_right_logical3A_429 = arith.shrui %and3A_411, %shift_right_logical3A_428 : vector<16xi32>
        %mul3A_430 = arith.constant 500 : i32
        %mul3A_431 = vector.broadcast %mul3A_430 : i32 to vector<16xi32>
        %mul3A_432 = arith.muli %shift_right_logical3A_426, %mul3A_431 : vector<16xi32>
        %add3A_433 = arith.addi %mul3A_432, %shift_right_logical3A_429 : vector<16xi32>
        tpu.vector_store_idx %arg8[%add3A_433], %broadcast_in_dim3A_4 masked %lt3A_419 {add = true} : memref<8000xf32, #tpu.memory_space<vmem>>[vector<16xi32>], vector<16xf32>, vector<16xi1>
        %shift_right_logical3A_434 = arith.constant 2 : i32
        %shift_right_logical3A_435 = vector.broadcast %shift_right_logical3A_434 : i32 to vector<16xi32>
        %shift_right_logical3A_436 = arith.shrui %sub3A_416, %shift_right_logical3A_435 : vector<16xi32>
        %shift_right_logical3A_437 = arith.constant 2 : i32
        %shift_right_logical3A_438 = vector.broadcast %shift_right_logical3A_437 : i32 to vector<16xi32>
        %shift_right_logical3A_439 = arith.shrui %and3A_411, %shift_right_logical3A_438 : vector<16xi32>
        %mul3A_440 = arith.constant 256 : i32
        %mul3A_441 = vector.broadcast %mul3A_440 : i32 to vector<16xi32>
        %mul3A_442 = arith.muli %shift_right_logical3A_436, %mul3A_441 : vector<16xi32>
        %add3A_443 = arith.addi %mul3A_442, %shift_right_logical3A_439 : vector<16xi32>
        tpu.vector_store_idx %arg9[%add3A_443], %broadcast_in_dim3A_4 masked %lt3A_419 {add = true} : memref<2048xf32, #tpu.memory_space<vmem>>[vector<16xi32>], vector<16xf32>, vector<16xi1>
        %mul3A_444 = arith.constant 128 : i32
        %mul3A_445 = arith.muli %scan3A_200, %mul3A_444 : i32
        %add3A_446 = arith.constant 96 : i32
        %add3A_447 = arith.addi %mul3A_445, %add3A_446 : i32
        %get3A_448 = arith.index_cast %add3A_447 : i32 to index
        %get3A_449 = tpu.vector_load %arg6[%get3A_448] {strides = array<i32>} : memref<32000xi32, #tpu.memory_space<vmem>>, vector<16xi32>,
        %and3A_450 = arith.constant 1023 : i32
        %and3A_451 = vector.broadcast %and3A_450 : i32 to vector<16xi32>
        %and3A_452 = arith.andi %get3A_449, %and3A_451 : vector<16xi32>
        %shift_right_logical3A_453 = arith.constant 10 : i32
        %shift_right_logical3A_454 = vector.broadcast %shift_right_logical3A_453 : i32 to vector<16xi32>
        %shift_right_logical3A_455 = arith.shrui %get3A_449, %shift_right_logical3A_454 : vector<16xi32>
        %sub3A_456 = vector.broadcast %min3A_3 : i32 to vector<16xi32>
        %sub3A_457 = arith.subi %shift_right_logical3A_455, %sub3A_456 : vector<16xi32>
        %bitcast3A_458 = vector.bitcast %sub3A_457 : vector<16xi32> to vector<16xi32>
        %lt3A_459 = vector.broadcast %scan3A_10 : i32 to vector<16xi32>
        %lt3A_460 = arith.cmpi ult, %bitcast3A_458, %lt3A_459 : vector<16xi32>
        %mul3A_461 = arith.constant 1000 : i32
        %mul3A_462 = vector.broadcast %mul3A_461 : i32 to vector<16xi32>
        %mul3A_463 = arith.muli %sub3A_457, %mul3A_462 : vector<16xi32>
        %add3A_464 = arith.addi %mul3A_463, %and3A_452 : vector<16xi32>
        tpu.vector_store_idx %arg7[%add3A_464], %broadcast_in_dim3A_4 masked %lt3A_460 {add = true} : memref<32000xf32, #tpu.memory_space<vmem>>[vector<16xi32>], vector<16xf32>, vector<16xi1>
        %shift_right_logical3A_465 = arith.constant 1 : i32
        %shift_right_logical3A_466 = vector.broadcast %shift_right_logical3A_465 : i32 to vector<16xi32>
        %shift_right_logical3A_467 = arith.shrui %sub3A_457, %shift_right_logical3A_466 : vector<16xi32>
        %shift_right_logical3A_468 = arith.constant 1 : i32
        %shift_right_logical3A_469 = vector.broadcast %shift_right_logical3A_468 : i32 to vector<16xi32>
        %shift_right_logical3A_470 = arith.shrui %and3A_452, %shift_right_logical3A_469 : vector<16xi32>
        %mul3A_471 = arith.constant 500 : i32
        %mul3A_472 = vector.broadcast %mul3A_471 : i32 to vector<16xi32>
        %mul3A_473 = arith.muli %shift_right_logical3A_467, %mul3A_472 : vector<16xi32>
        %add3A_474 = arith.addi %mul3A_473, %shift_right_logical3A_470 : vector<16xi32>
        tpu.vector_store_idx %arg8[%add3A_474], %broadcast_in_dim3A_4 masked %lt3A_460 {add = true} : memref<8000xf32, #tpu.memory_space<vmem>>[vector<16xi32>], vector<16xf32>, vector<16xi1>
        %shift_right_logical3A_475 = arith.constant 2 : i32
        %shift_right_logical3A_476 = vector.broadcast %shift_right_logical3A_475 : i32 to vector<16xi32>
        %shift_right_logical3A_477 = arith.shrui %sub3A_457, %shift_right_logical3A_476 : vector<16xi32>
        %shift_right_logical3A_478 = arith.constant 2 : i32
        %shift_right_logical3A_479 = vector.broadcast %shift_right_logical3A_478 : i32 to vector<16xi32>
        %shift_right_logical3A_480 = arith.shrui %and3A_452, %shift_right_logical3A_479 : vector<16xi32>
        %mul3A_481 = arith.constant 256 : i32
        %mul3A_482 = vector.broadcast %mul3A_481 : i32 to vector<16xi32>
        %mul3A_483 = arith.muli %shift_right_logical3A_477, %mul3A_482 : vector<16xi32>
        %add3A_484 = arith.addi %mul3A_483, %shift_right_logical3A_480 : vector<16xi32>
        tpu.vector_store_idx %arg9[%add3A_484], %broadcast_in_dim3A_4 masked %lt3A_460 {add = true} : memref<2048xf32, #tpu.memory_space<vmem>>[vector<16xi32>], vector<16xf32>, vector<16xi1>
        %mul3A_485 = arith.constant 128 : i32
        %mul3A_486 = arith.muli %scan3A_200, %mul3A_485 : i32
        %add3A_487 = arith.constant 112 : i32
        %add3A_488 = arith.addi %mul3A_486, %add3A_487 : i32
        %get3A_489 = arith.index_cast %add3A_488 : i32 to index
        %get3A_490 = tpu.vector_load %arg6[%get3A_489] {strides = array<i32>} : memref<32000xi32, #tpu.memory_space<vmem>>, vector<16xi32>,
        %and3A_491 = arith.constant 1023 : i32
        %and3A_492 = vector.broadcast %and3A_491 : i32 to vector<16xi32>
        %and3A_493 = arith.andi %get3A_490, %and3A_492 : vector<16xi32>
        %shift_right_logical3A_494 = arith.constant 10 : i32
        %shift_right_logical3A_495 = vector.broadcast %shift_right_logical3A_494 : i32 to vector<16xi32>
        %shift_right_logical3A_496 = arith.shrui %get3A_490, %shift_right_logical3A_495 : vector<16xi32>
        %sub3A_497 = vector.broadcast %min3A_3 : i32 to vector<16xi32>
        %sub3A_498 = arith.subi %shift_right_logical3A_496, %sub3A_497 : vector<16xi32>
        %bitcast3A_499 = vector.bitcast %sub3A_498 : vector<16xi32> to vector<16xi32>
        %lt3A_500 = vector.broadcast %scan3A_10 : i32 to vector<16xi32>
        %lt3A_501 = arith.cmpi ult, %bitcast3A_499, %lt3A_500 : vector<16xi32>
        %mul3A_502 = arith.constant 1000 : i32
        %mul3A_503 = vector.broadcast %mul3A_502 : i32 to vector<16xi32>
        %mul3A_504 = arith.muli %sub3A_498, %mul3A_503 : vector<16xi32>
        %add3A_505 = arith.addi %mul3A_504, %and3A_493 : vector<16xi32>
        tpu.vector_store_idx %arg7[%add3A_505], %broadcast_in_dim3A_4 masked %lt3A_501 {add = true} : memref<32000xf32, #tpu.memory_space<vmem>>[vector<16xi32>], vector<16xf32>, vector<16xi1>
        %shift_right_logical3A_506 = arith.constant 1 : i32
        %shift_right_logical3A_507 = vector.broadcast %shift_right_logical3A_506 : i32 to vector<16xi32>
        %shift_right_logical3A_508 = arith.shrui %sub3A_498, %shift_right_logical3A_507 : vector<16xi32>
        %shift_right_logical3A_509 = arith.constant 1 : i32
        %shift_right_logical3A_510 = vector.broadcast %shift_right_logical3A_509 : i32 to vector<16xi32>
        %shift_right_logical3A_511 = arith.shrui %and3A_493, %shift_right_logical3A_510 : vector<16xi32>
        %mul3A_512 = arith.constant 500 : i32
        %mul3A_513 = vector.broadcast %mul3A_512 : i32 to vector<16xi32>
        %mul3A_514 = arith.muli %shift_right_logical3A_508, %mul3A_513 : vector<16xi32>
        %add3A_515 = arith.addi %mul3A_514, %shift_right_logical3A_511 : vector<16xi32>
        tpu.vector_store_idx %arg8[%add3A_515], %broadcast_in_dim3A_4 masked %lt3A_501 {add = true} : memref<8000xf32, #tpu.memory_space<vmem>>[vector<16xi32>], vector<16xf32>, vector<16xi1>
        %shift_right_logical3A_516 = arith.constant 2 : i32
        %shift_right_logical3A_517 = vector.broadcast %shift_right_logical3A_516 : i32 to vector<16xi32>
        %shift_right_logical3A_518 = arith.shrui %sub3A_498, %shift_right_logical3A_517 : vector<16xi32>
        %shift_right_logical3A_519 = arith.constant 2 : i32
        %shift_right_logical3A_520 = vector.broadcast %shift_right_logical3A_519 : i32 to vector<16xi32>
        %shift_right_logical3A_521 = arith.shrui %and3A_493, %shift_right_logical3A_520 : vector<16xi32>
        %mul3A_522 = arith.constant 256 : i32
        %mul3A_523 = vector.broadcast %mul3A_522 : i32 to vector<16xi32>
        %mul3A_524 = arith.muli %shift_right_logical3A_518, %mul3A_523 : vector<16xi32>
        %add3A_525 = arith.addi %mul3A_524, %shift_right_logical3A_521 : vector<16xi32>
        tpu.vector_store_idx %arg9[%add3A_525], %broadcast_in_dim3A_4 masked %lt3A_501 {add = true} : memref<2048xf32, #tpu.memory_space<vmem>>[vector<16xi32>], vector<16xf32>, vector<16xi1>
      }
      %scan3A_120 = arith.constant 250 : i32
      %mul3A_121 = arith.constant 1000 : i32
      %mul3A_122 = arith.muli %scan3A_73, %mul3A_121 : i32
      %mul3A_123 = arith.constant 1000 : i32
      %mul3A_124 = arith.muli %mul3A_122, %mul3A_123 : i32
      %mul3A_125 = arith.constant 1000 : i32
      %mul3A_126 = arith.muli %min3A_3, %mul3A_125 : i32
      %add3A_127 = arith.addi %mul3A_124, %mul3A_126 : i32
      %mul3A_128 = arith.constant 500 : i32
      %mul3A_129 = arith.muli %scan3A_73, %mul3A_128 : i32
      %mul3A_130 = arith.constant 500 : i32
      %mul3A_131 = arith.muli %mul3A_129, %mul3A_130 : i32
      %jit3A_132 = arith.constant 4 : i32
      %div3A_133 = arith.divsi %min3A_3, %jit3A_132 : i32
      %sign3A_134 = arith.constant 0 : i32
      %sign3A_135 = arith.cmpi sgt, %min3A_3, %sign3A_134 : i32
      %sign3A_136 = arith.extui %sign3A_135 : i1 to i32
      %sign3A_137 = arith.constant 0 : i32
      %sign3A_138 = arith.cmpi slt, %min3A_3, %sign3A_137 : i32
      %sign3A_139 = arith.extui %sign3A_138 : i1 to i32
      %sign3A_140 = arith.subi %sign3A_136, %sign3A_139 : i32
      %sign3A_141 = arith.constant 0 : i32
      %sign3A_142 = arith.cmpi sgt, %jit3A_132, %sign3A_141 : i32
      %sign3A_143 = arith.extui %sign3A_142 : i1 to i32
      %sign3A_144 = arith.constant 0 : i32
      %sign3A_145 = arith.cmpi slt, %jit3A_132, %sign3A_144 : i32
      %sign3A_146 = arith.extui %sign3A_145 : i1 to i32
      %sign3A_147 = arith.subi %sign3A_143, %sign3A_146 : i32
      %ne3A_148 = arith.cmpi ne, %sign3A_140, %sign3A_147 : i32
      %rem3A_149 = arith.remsi %min3A_3, %jit3A_132 : i32
      %ne3A_150 = arith.constant 0 : i32
      %ne3A_151 = arith.cmpi ne, %rem3A_149, %ne3A_150 : i32
      %and3A_152 = arith.andi %ne3A_148, %ne3A_151 : i1
      %sub3A_153 = arith.constant 1 : i32
      %sub3A_154 = arith.subi %div3A_133, %sub3A_153 : i32
      %select_n3A_155 = arith.select %and3A_152, %sub3A_154, %div3A_133 : i32
      %mul3A_156 = arith.constant 1000 : i32
      %mul3A_157 = arith.muli %select_n3A_155, %mul3A_156 : i32
      %add3A_158 = arith.addi %mul3A_131, %mul3A_157 : i32
      %mul3A_159 = arith.constant 250 : i32
      %mul3A_160 = arith.muli %scan3A_73, %mul3A_159 : i32
      %mul3A_161 = arith.constant 256 : i32
      %mul3A_162 = arith.muli %mul3A_160, %mul3A_161 : i32
      %jit3A_163 = arith.constant 4 : i32
      %div3A_164 = arith.divsi %min3A_3, %jit3A_163 : i32
      %sign3A_165 = arith.constant 0 : i32
      %sign3A_166 = arith.cmpi sgt, %min3A_3, %sign3A_165 : i32
      %sign3A_167 = arith.extui %sign3A_166 : i1 to i32
      %sign3A_168 = arith.constant 0 : i32
      %sign3A_169 = arith.cmpi slt, %min3A_3, %sign3A_168 : i32
      %sign3A_170 = arith.extui %sign3A_169 : i1 to i32
      %sign3A_171 = arith.subi %sign3A_167, %sign3A_170 : i32
      %sign3A_172 = arith.constant 0 : i32
      %sign3A_173 = arith.cmpi sgt, %jit3A_163, %sign3A_172 : i32
      %sign3A_174 = arith.extui %sign3A_173 : i1 to i32
      %sign3A_175 = arith.constant 0 : i32
      %sign3A_176 = arith.cmpi slt, %jit3A_163, %sign3A_175 : i32
      %sign3A_177 = arith.extui %sign3A_176 : i1 to i32
      %sign3A_178 = arith.subi %sign3A_174, %sign3A_177 : i32
      %ne3A_179 = arith.cmpi ne, %sign3A_171, %sign3A_178 : i32
      %rem3A_180 = arith.remsi %min3A_3, %jit3A_163 : i32
      %ne3A_181 = arith.constant 0 : i32
      %ne3A_182 = arith.cmpi ne, %rem3A_180, %ne3A_181 : i32
      %and3A_183 = arith.andi %ne3A_179, %ne3A_182 : i1
      %sub3A_184 = arith.constant 1 : i32
      %sub3A_185 = arith.subi %div3A_164, %sub3A_184 : i32
      %select_n3A_186 = arith.select %and3A_183, %sub3A_185, %div3A_164 : i32
      %mul3A_187 = arith.constant 256 : i32
      %mul3A_188 = arith.muli %select_n3A_186, %mul3A_187 : i32
      %add3A_189 = arith.addi %mul3A_162, %mul3A_188 : i32
      %dma_start3A_190 = tpu.memref_slice %arg3[%add3A_127] : memref<10000000xf32, #tpu.memory_space<hbm>> -> memref<32000xf32, #tpu.memory_space<hbm>>
      %dma_start3A_191 = tpu.memref_slice %arg3[%add3A_127] : memref<10000000xf32, #tpu.memory_space<hbm>> -> memref<32000xf32, #tpu.memory_space<hbm>>
      tpu.enqueue_dma source(%arg7 : memref<32000xf32, #tpu.memory_space<vmem>>) target(%dma_start3A_191 : memref<32000xf32, #tpu.memory_space<hbm>>) target_semaphore(%arg11 : memref<!tpu.dma_semaphore, #tpu.memory_space<semaphore_mem>>)
      %dma_start3A_192 = tpu.memref_slice %arg4[%add3A_158] : memref<2500000xf32, #tpu.memory_space<hbm>> -> memref<8000xf32, #tpu.memory_space<hbm>>
      %dma_start3A_193 = tpu.memref_slice %arg4[%add3A_158] : memref<2500000xf32, #tpu.memory_space<hbm>> -> memref<8000xf32, #tpu.memory_space<hbm>>
      tpu.enqueue_dma source(%arg8 : memref<8000xf32, #tpu.memory_space<vmem>>) target(%dma_start3A_193 : memref<8000xf32, #tpu.memory_space<hbm>>) target_semaphore(%arg12 : memref<!tpu.dma_semaphore, #tpu.memory_space<semaphore_mem>>)
      %dma_start3A_194 = tpu.memref_slice %arg5[%add3A_189] : memref<640000xf32, #tpu.memory_space<hbm>> -> memref<2048xf32, #tpu.memory_space<hbm>>
      %dma_start3A_195 = tpu.memref_slice %arg5[%add3A_189] : memref<640000xf32, #tpu.memory_space<hbm>> -> memref<2048xf32, #tpu.memory_space<hbm>>
      tpu.enqueue_dma source(%arg9 : memref<2048xf32, #tpu.memory_space<vmem>>) target(%dma_start3A_195 : memref<2048xf32, #tpu.memory_space<hbm>>) target_semaphore(%arg13 : memref<!tpu.dma_semaphore, #tpu.memory_space<semaphore_mem>>)
      %lt3A = arith.constant 9 : i32
      %lt3A_196 = arith.cmpi slt, %scan3A_73, %lt3A : i32
      %convert_element_type3A_197 = arith.extui %lt3A_196 : i1 to i32
      %cond3A_198 = arith.constant 0 : i32
      %cond3A_199 = arith.cmpi ne, %convert_element_type3A_197, %cond3A_198 : i32
      scf.if %cond3A_199 {
        %add3A_200 = arith.constant 1 : i32
        %add3A_201 = arith.addi %scan3A_73, %add3A_200 : i32
        %mul3A_202 = arith.constant 32000 : i32
        %mul3A_203 = arith.muli %add3A_201, %mul3A_202 : i32
        %dma_start3A_204 = tpu.memref_slice %arg2[%mul3A_203] : memref<320000xi32, #tpu.memory_space<hbm>> -> memref<32000xi32, #tpu.memory_space<hbm>>
        %dma_start3A_205 = tpu.memref_slice %arg2[%mul3A_203] : memref<320000xi32, #tpu.memory_space<hbm>> -> memref<32000xi32, #tpu.memory_space<hbm>>
        tpu.enqueue_dma source(%dma_start3A_205 : memref<32000xi32, #tpu.memory_space<hbm>>) target(%arg6 : memref<32000xi32, #tpu.memory_space<vmem>>) target_semaphore(%arg10 : memref<!tpu.dma_semaphore, #tpu.memory_space<semaphore_mem>>)
      } else {
      }
    }
    %scan3A_15 = arith.constant 10 : i32
    %mul3A_16 = arith.constant 1000 : i32
    %mul3A_17 = arith.muli %min3A_3, %mul3A_16 : i32
    %add3A_18 = arith.constant 9000000 : i32
    %add3A_19 = arith.addi %add3A_18, %mul3A_17 : i32
    %jit3A = arith.constant 4 : i32
    %div3A = arith.divsi %min3A_3, %jit3A : i32
    %sign3A = arith.constant 0 : i32
    %sign3A_20 = arith.cmpi sgt, %min3A_3, %sign3A : i32
    %sign3A_21 = arith.extui %sign3A_20 : i1 to i32
    %sign3A_22 = arith.constant 0 : i32
    %sign3A_23 = arith.cmpi slt, %min3A_3, %sign3A_22 : i32
    %sign3A_24 = arith.extui %sign3A_23 : i1 to i32
    %sign3A_25 = arith.subi %sign3A_21, %sign3A_24 : i32
    %sign3A_26 = arith.constant 0 : i32
    %sign3A_27 = arith.cmpi sgt, %jit3A, %sign3A_26 : i32
    %sign3A_28 = arith.extui %sign3A_27 : i1 to i32
    %sign3A_29 = arith.constant 0 : i32
    %sign3A_30 = arith.cmpi slt, %jit3A, %sign3A_29 : i32
    %sign3A_31 = arith.extui %sign3A_30 : i1 to i32
    %sign3A_32 = arith.subi %sign3A_28, %sign3A_31 : i32
    %ne3A = arith.cmpi ne, %sign3A_25, %sign3A_32 : i32
    %rem3A = arith.remsi %min3A_3, %jit3A : i32
    %ne3A_33 = arith.constant 0 : i32
    %ne3A_34 = arith.cmpi ne, %rem3A, %ne3A_33 : i32
    %and3A = arith.andi %ne3A, %ne3A_34 : i1
    %sub3A = arith.constant 1 : i32
    %sub3A_35 = arith.subi %div3A, %sub3A : i32
    %select_n3A = arith.select %and3A, %sub3A_35, %div3A : i32
    %mul3A_36 = arith.constant 1000 : i32
    %mul3A_37 = arith.muli %select_n3A, %mul3A_36 : i32
    %add3A_38 = arith.constant 2250000 : i32
    %add3A_39 = arith.addi %add3A_38, %mul3A_37 : i32
    %jit3A_40 = arith.constant 4 : i32
    %div3A_41 = arith.divsi %min3A_3, %jit3A_40 : i32
    %sign3A_42 = arith.constant 0 : i32
    %sign3A_43 = arith.cmpi sgt, %min3A_3, %sign3A_42 : i32
    %sign3A_44 = arith.extui %sign3A_43 : i1 to i32
    %sign3A_45 = arith.constant 0 : i32
    %sign3A_46 = arith.cmpi slt, %min3A_3, %sign3A_45 : i32
    %sign3A_47 = arith.extui %sign3A_46 : i1 to i32
    %sign3A_48 = arith.subi %sign3A_44, %sign3A_47 : i32
    %sign3A_49 = arith.constant 0 : i32
    %sign3A_50 = arith.cmpi sgt, %jit3A_40, %sign3A_49 : i32
    %sign3A_51 = arith.extui %sign3A_50 : i1 to i32
    %sign3A_52 = arith.constant 0 : i32
    %sign3A_53 = arith.cmpi slt, %jit3A_40, %sign3A_52 : i32
    %sign3A_54 = arith.extui %sign3A_53 : i1 to i32
    %sign3A_55 = arith.subi %sign3A_51, %sign3A_54 : i32
    %ne3A_56 = arith.cmpi ne, %sign3A_48, %sign3A_55 : i32
    %rem3A_57 = arith.remsi %min3A_3, %jit3A_40 : i32
    %ne3A_58 = arith.constant 0 : i32
    %ne3A_59 = arith.cmpi ne, %rem3A_57, %ne3A_58 : i32
    %and3A_60 = arith.andi %ne3A_56, %ne3A_59 : i1
    %sub3A_61 = arith.constant 1 : i32
    %sub3A_62 = arith.subi %div3A_41, %sub3A_61 : i32
    %select_n3A_63 = arith.select %and3A_60, %sub3A_62, %div3A_41 : i32
    %mul3A_64 = arith.constant 256 : i32
    %mul3A_65 = arith.muli %select_n3A_63, %mul3A_64 : i32
    %add3A_66 = arith.constant 576000 : i32
    %add3A_67 = arith.addi %add3A_66, %mul3A_65 : i32
    %dma_wait3A = tpu.memref_slice %arg3[%add3A_19] : memref<10000000xf32, #tpu.memory_space<hbm>> -> memref<32000xf32, #tpu.memory_space<hbm>>
    %dma_wait3A_68 = tpu.memref_slice %arg3[%add3A_19] : memref<10000000xf32, #tpu.memory_space<hbm>> -> memref<32000xf32, #tpu.memory_space<hbm>>
    tpu.wait_dma2 semaphore(%arg11 : memref<!tpu.dma_semaphore, #tpu.memory_space<semaphore_mem>>) src(%arg7 : memref<32000xf32, #tpu.memory_space<vmem>>) dst(%dma_wait3A_68 : memref<32000xf32, #tpu.memory_space<hbm>>)
    %dma_wait3A_69 = tpu.memref_slice %arg4[%add3A_39] : memref<2500000xf32, #tpu.memory_space<hbm>> -> memref<8000xf32, #tpu.memory_space<hbm>>
    %dma_wait3A_70 = tpu.memref_slice %arg4[%add3A_39] : memref<2500000xf32, #tpu.memory_space<hbm>> -> memref<8000xf32, #tpu.memory_space<hbm>>
    tpu.wait_dma2 semaphore(%arg12 : memref<!tpu.dma_semaphore, #tpu.memory_space<semaphore_mem>>) src(%arg8 : memref<8000xf32, #tpu.memory_space<vmem>>) dst(%dma_wait3A_70 : memref<8000xf32, #tpu.memory_space<hbm>>)
    %dma_wait3A_71 = tpu.memref_slice %arg5[%add3A_67] : memref<640000xf32, #tpu.memory_space<hbm>> -> memref<2048xf32, #tpu.memory_space<hbm>>
    %dma_wait3A_72 = tpu.memref_slice %arg5[%add3A_67] : memref<640000xf32, #tpu.memory_space<hbm>> -> memref<2048xf32, #tpu.memory_space<hbm>>
    tpu.wait_dma2 semaphore(%arg13 : memref<!tpu.dma_semaphore, #tpu.memory_space<semaphore_mem>>) src(%arg9 : memref<2048xf32, #tpu.memory_space<vmem>>) dst(%dma_wait3A_72 : memref<2048xf32, #tpu.memory_space<hbm>>)
    return
  }
}

module attributes {stable_mosaic.version = 14 : i64} {
  func.func @_pack_edges_body(%arg0: memref<1x320000xi32, #tpu.memory_space<vmem>>, %arg1: memref<1x320000xi32, #tpu.memory_space<vmem>>, %arg2: memref<1x320000xi32, #tpu.memory_space<vmem>>) attributes {dimension_semantics = [], scalar_prefetch = 0 : i64, scratch_operands = 0 : i64, tpu.core_type = #tpu.core_type<tc>} {
    %get3A = arith.constant 0 : index
    %get3A_0 = arith.constant 0 : index
    %get3A_1 = vector.load %arg0[%get3A, %get3A_0] : memref<1x320000xi32, #tpu.memory_space<vmem>>, vector<1x320000xi32>
    %get3A_2 = arith.constant 0 : index
    %get3A_3 = arith.constant 0 : index
    %get3A_4 = vector.load %arg1[%get3A_2, %get3A_3] : memref<1x320000xi32, #tpu.memory_space<vmem>>, vector<1x320000xi32>
    %jit3A = arith.constant 1000 : i32
    %div3A = vector.broadcast %jit3A : i32 to vector<1x320000xi32>
    %div3A_5 = arith.divsi %get3A_4, %div3A : vector<1x320000xi32>
    %sign3A = arith.constant 0 : i32
    %sign3A_6 = vector.broadcast %sign3A : i32 to vector<1x320000xi32>
    %sign3A_7 = arith.cmpi sgt, %get3A_4, %sign3A_6 : vector<1x320000xi32>
    %sign3A_8 = arith.extui %sign3A_7 : vector<1x320000xi1> to vector<1x320000xi32>
    %sign3A_9 = arith.constant 0 : i32
    %sign3A_10 = vector.broadcast %sign3A_9 : i32 to vector<1x320000xi32>
    %sign3A_11 = arith.cmpi slt, %get3A_4, %sign3A_10 : vector<1x320000xi32>
    %sign3A_12 = arith.extui %sign3A_11 : vector<1x320000xi1> to vector<1x320000xi32>
    %sign3A_13 = arith.subi %sign3A_8, %sign3A_12 : vector<1x320000xi32>
    %sign3A_14 = arith.constant 0 : i32
    %sign3A_15 = arith.cmpi sgt, %jit3A, %sign3A_14 : i32
    %sign3A_16 = arith.extui %sign3A_15 : i1 to i32
    %sign3A_17 = arith.constant 0 : i32
    %sign3A_18 = arith.cmpi slt, %jit3A, %sign3A_17 : i32
    %sign3A_19 = arith.extui %sign3A_18 : i1 to i32
    %sign3A_20 = arith.subi %sign3A_16, %sign3A_19 : i32
    %ne3A = vector.broadcast %sign3A_20 : i32 to vector<1x320000xi32>
    %ne3A_21 = arith.cmpi ne, %sign3A_13, %ne3A : vector<1x320000xi32>
    %rem3A = vector.broadcast %jit3A : i32 to vector<1x320000xi32>
    %rem3A_22 = arith.remsi %get3A_4, %rem3A : vector<1x320000xi32>
    %ne3A_23 = arith.constant 0 : i32
    %ne3A_24 = vector.broadcast %ne3A_23 : i32 to vector<1x320000xi32>
    %ne3A_25 = arith.cmpi ne, %rem3A_22, %ne3A_24 : vector<1x320000xi32>
    %and3A = arith.andi %ne3A_21, %ne3A_25 : vector<1x320000xi1>
    %sub3A = arith.constant 1 : i32
    %sub3A_26 = vector.broadcast %sub3A : i32 to vector<1x320000xi32>
    %sub3A_27 = arith.subi %div3A_5, %sub3A_26 : vector<1x320000xi32>
    %select_n3A = arith.select %and3A, %sub3A_27, %div3A_5 : vector<1x320000xi1>, vector<1x320000xi32>
    %mul3A = arith.constant 1000 : i32
    %mul3A_28 = vector.broadcast %mul3A : i32 to vector<1x320000xi32>
    %mul3A_29 = arith.muli %select_n3A, %mul3A_28 : vector<1x320000xi32>
    %sub3A_30 = arith.subi %get3A_4, %mul3A_29 : vector<1x320000xi32>
    %shift_left3A = arith.constant 10 : i32
    %shift_left3A_31 = vector.broadcast %shift_left3A : i32 to vector<1x320000xi32>
    %shift_left3A_32 = arith.shli %sub3A_30, %shift_left3A_31 : vector<1x320000xi32>
    %sub3A_33 = arith.subi %get3A_1, %mul3A_29 : vector<1x320000xi32>
    %or3A = arith.ori %shift_left3A_32, %sub3A_33 : vector<1x320000xi32>
    %swap3A = arith.constant 0 : index
    %swap3A_34 = arith.constant 0 : index
    %swap3A_35 = vector.load %arg2[%swap3A, %swap3A_34] : memref<1x320000xi32, #tpu.memory_space<vmem>>, vector<1x320000xi32>
    tpu.vector_store %arg2[%swap3A, %swap3A_34], %or3A {strides = array<i32>} : memref<1x320000xi32, #tpu.memory_space<vmem>>, vector<1x320000xi32>,
    return
  }
}

module attributes {stable_mosaic.version = 14 : i64} {
  func.func @_layer_body(%arg0: i32, %arg1: memref<1x1000x1000xf32, #tpu.memory_space<vmem>>, %arg2: memref<1x1000x128xf32, #tpu.memory_space<vmem>>, %arg3: memref<128x128xf32, #tpu.memory_space<vmem>>, %arg4: memref<1x128xf32, #tpu.memory_space<vmem>>, %arg5: memref<128x1xf32, #tpu.memory_space<vmem>>, %arg6: memref<1x128xf32, #tpu.memory_space<vmem>>, %arg7: memref<1x500x128xf32, #tpu.memory_space<vmem>>, %arg8: memref<1x128xf32, #tpu.memory_space<vmem>>, %arg9: memref<1x128xf32, #tpu.memory_space<vmem>>) attributes {dimension_semantics = [#tpu.dimension_semantics<arbitrary>], iteration_bounds = array<i64: 10>, scalar_prefetch = 0 : i64, scratch_operands = 0 : i64, tpu.core_type = #tpu.core_type<tc>, window_params = [{transform_indices = @transform_0, window_bounds = array<i64: 1, 1000, 1000>}, {transform_indices = @transform_1, window_bounds = array<i64: 1, 1000, 128>}, {pipeline_mode = #tpu.pipeline_mode<synchronous>, transform_indices = @transform_2, window_bounds = array<i64: 128, 128>}, {pipeline_mode = #tpu.pipeline_mode<synchronous>, transform_indices = @transform_3, window_bounds = array<i64: 1, 128>}, {pipeline_mode = #tpu.pipeline_mode<synchronous>, transform_indices = @transform_4, window_bounds = array<i64: 128, 1>}, {pipeline_mode = #tpu.pipeline_mode<synchronous>, transform_indices = @transform_5, window_bounds = array<i64: 1, 128>}, {transform_indices = @transform_6, window_bounds = array<i64: 1, 500, 128>}, {pipeline_mode = #tpu.pipeline_mode<synchronous>, transform_indices = @transform_7, window_bounds = array<i64: 1, 128>}, {pipeline_mode = #tpu.pipeline_mode<synchronous>, transform_indices = @transform_8, window_bounds = array<i64: 1, 128>}]} {
    %get3A = arith.constant 0 : index
    %get3A_0 = arith.constant 0 : index
    %get3A_1 = arith.constant 0 : index
    %get3A_2 = vector.load %arg2[%get3A, %get3A_0, %get3A_1] : memref<1x1000x128xf32, #tpu.memory_space<vmem>>, vector<1x1000x128xf32>
    %get3A_3 = vector.shape_cast %get3A_2 : vector<1x1000x128xf32> to vector<1000x128xf32>
    %get3A_4 = arith.constant 0 : index
    %get3A_5 = arith.constant 0 : index
    %get3A_6 = vector.load %arg3[%get3A_4, %get3A_5] : memref<128x128xf32, #tpu.memory_space<vmem>>, vector<128x128xf32>
    %dot_general3A = arith.constant dense<0.000000e+00> : vector<1000x128xf32>
    %dot_general3A_7 = tpu.matmul %get3A_3, %get3A_6, %dot_general3A {dimension_numbers = #tpu.dot_dimension_numbers<[1], [0], [0], [1], [0, 0, 1, 1], [], []>, transpose_lhs_hint = false} : vector<1000x128xf32>, vector<128x128xf32>, vector<1000x128xf32> -> vector<1000x128xf32>
    %get3A_8 = arith.constant 0 : index
    %get3A_9 = arith.constant 0 : index
    %get3A_10 = vector.load %arg5[%get3A_8, %get3A_9] : memref<128x1xf32, #tpu.memory_space<vmem>>, vector<128x1xf32>
    %dot_general3A_11 = arith.constant dense<0.000000e+00> : vector<1000x1xf32>
    %dot_general3A_12 = tpu.matmul %dot_general3A_7, %get3A_10, %dot_general3A_11 {dimension_numbers = #tpu.dot_dimension_numbers<[1], [0], [0], [1], [0, 0, 1, 1], [], []>, transpose_lhs_hint = false} : vector<1000x128xf32>, vector<128x1xf32>, vector<1000x1xf32> -> vector<1000x1xf32>
    %get3A_13 = arith.constant 0 : index
    %get3A_14 = arith.constant 0 : index
    %get3A_15 = vector.load %arg4[%get3A_13, %get3A_14] : memref<1x128xf32, #tpu.memory_space<vmem>>, vector<1x128xf32>
    %dot_general3A_16 = arith.constant dense<0.000000e+00> : vector<1x1000xf32>
    %dot_general3A_17 = tpu.matmul %get3A_15, %dot_general3A_7, %dot_general3A_16 {dimension_numbers = #tpu.dot_dimension_numbers<[1], [1], [0], [0], [0, 0, 1, 0], [], []>, transpose_lhs_hint = false} : vector<1x128xf32>, vector<1000x128xf32>, vector<1x1000xf32> -> vector<1x1000xf32>
    %add3A = vector.broadcast %dot_general3A_12 : vector<1000x1xf32> to vector<1000x1000xf32>
    %add3A_18 = vector.broadcast %dot_general3A_17 : vector<1x1000xf32> to vector<1000x1000xf32>
    %add3A_19 = arith.addf %add3A, %add3A_18 : vector<1000x1000xf32>
    %ge3A = arith.constant 0.000000e+00 : f32
    %ge3A_20 = vector.broadcast %ge3A : f32 to vector<1000x1000xf32>
    %ge3A_21 = arith.cmpf oge, %add3A_19, %ge3A_20 : vector<1000x1000xf32>
    %mul3A = arith.constant 2.000000e-01 : f32
    %mul3A_22 = vector.broadcast %mul3A : f32 to vector<1000x1000xf32>
    %mul3A_23 = arith.mulf %mul3A_22, %add3A_19 : vector<1000x1000xf32>
    %select_n3A = arith.select %ge3A_21, %add3A_19, %mul3A_23 : vector<1000x1000xi1>, vector<1000x1000xf32>
    %get3A_24 = arith.constant 0 : index
    %get3A_25 = arith.constant 0 : index
    %get3A_26 = arith.constant 0 : index
    %get3A_27 = vector.load %arg1[%get3A_24, %get3A_25, %get3A_26] : memref<1x1000x1000xf32, #tpu.memory_space<vmem>>, vector<1x1000x1000xf32>
    %get3A_28 = vector.shape_cast %get3A_27 : vector<1x1000x1000xf32> to vector<1000x1000xf32>
    %gt3A = arith.constant 0.000000e+00 : f32
    %gt3A_29 = vector.broadcast %gt3A : f32 to vector<1000x1000xf32>
    %gt3A_30 = arith.cmpf ogt, %get3A_28, %gt3A_29 : vector<1000x1000xf32>
    %jit3A = arith.constant -1.000000e+30 : f32
    %broadcast_in_dim3A = vector.broadcast %jit3A : f32 to vector<1000x1000xf32>
    %select_n3A_31 = arith.select %gt3A_30, %select_n3A, %broadcast_in_dim3A : vector<1000x1000xi1>, vector<1000x1000xf32>
    %reduce_max3A = arith.constant dense<0xFF800000> : vector<1000xf32>
    %reduce_max3A_32 = vector.multi_reduction <maximumf>, %select_n3A_31, %reduce_max3A [1] : vector<1000x1000xf32> to vector<1000xf32>
    %broadcast_in_dim3A_33 = vector.shape_cast %reduce_max3A_32 : vector<1000xf32> to vector<1000x1xf32>
    %sub3A = vector.broadcast %broadcast_in_dim3A_33 : vector<1000x1xf32> to vector<1000x1000xf32>
    %sub3A_34 = arith.subf %select_n3A_31, %sub3A : vector<1000x1000xf32>
    %exp3A = math.exp %sub3A_34 : vector<1000x1000xf32>
    %mul3A_35 = arith.mulf %get3A_28, %exp3A : vector<1000x1000xf32>
    %reduce_sum3A = arith.constant dense<0.000000e+00> : vector<1000xf32>
    %reduce_sum3A_36 = vector.multi_reduction <add>, %mul3A_35, %reduce_sum3A [1] : vector<1000x1000xf32> to vector<1000xf32>
    %broadcast_in_dim3A_37 = vector.shape_cast %reduce_sum3A_36 : vector<1000xf32> to vector<1000x1xf32>
    %add3A_38 = arith.constant 1.000000e-16 : f32
    %add3A_39 = vector.broadcast %add3A_38 : f32 to vector<1000x1xf32>
    %add3A_40 = arith.addf %broadcast_in_dim3A_37, %add3A_39 : vector<1000x1xf32>
    %div3A = vector.broadcast %add3A_40 : vector<1000x1xf32> to vector<1000x1000xf32>
    %div3A_41 = arith.divf %mul3A_35, %div3A : vector<1000x1000xf32>
    %dot_general3A_42 = arith.constant dense<0.000000e+00> : vector<1000x128xf32>
    %dot_general3A_43 = tpu.matmul %div3A_41, %dot_general3A_7, %dot_general3A_42 {dimension_numbers = #tpu.dot_dimension_numbers<[1], [0], [0], [1], [0, 0, 1, 1], [], []>, precision = #tpu.contract_precision<fp32>, transpose_lhs_hint = false} : vector<1000x1000xf32>, vector<1000x128xf32>, vector<1000x128xf32> -> vector<1000x128xf32>
    %get3A_44 = arith.constant 0 : index
    %get3A_45 = arith.constant 0 : index
    %get3A_46 = vector.load %arg6[%get3A_44, %get3A_45] : memref<1x128xf32, #tpu.memory_space<vmem>>, vector<1x128xf32>
    %add3A_47 = vector.broadcast %get3A_46 : vector<1x128xf32> to vector<1000x128xf32>
    %add3A_48 = arith.addf %dot_general3A_43, %add3A_47 : vector<1000x128xf32>
    %max3A = arith.constant 0.000000e+00 : f32
    %max3A_49 = vector.broadcast %max3A : f32 to vector<1000x128xf32>
    %max3A_50 = arith.maximumf %add3A_48, %max3A_49 : vector<1000x128xf32>
    %reshape3A = vector.shape_cast %max3A_50 : vector<1000x128xf32> to vector<500x2x128xf32>
    %reduce_max3A_51 = arith.constant dense<0xFF800000> : vector<500x128xf32>
    %reduce_max3A_52 = vector.multi_reduction <maximumf>, %reshape3A, %reduce_max3A_51 [1] : vector<500x2x128xf32> to vector<500x128xf32>
    %swap3A = arith.constant 0 : index
    %swap3A_53 = arith.constant 0 : index
    %swap3A_54 = arith.constant 0 : index
    %swap3A_55 = vector.load %arg7[%swap3A, %swap3A_53, %swap3A_54] : memref<1x500x128xf32, #tpu.memory_space<vmem>>, vector<1x500x128xf32>
    %swap3A_56 = vector.shape_cast %swap3A_55 : vector<1x500x128xf32> to vector<500x128xf32>
    %swap3A_57 = vector.shape_cast %reduce_max3A_52 : vector<500x128xf32> to vector<1x500x128xf32>
    tpu.vector_store %arg7[%swap3A, %swap3A_53, %swap3A_54], %swap3A_57 {strides = array<i32>} : memref<1x500x128xf32, #tpu.memory_space<vmem>>, vector<1x500x128xf32>,
    %eq3A = arith.constant 0 : i32
    %eq3A_58 = arith.cmpi eq, %arg0, %eq3A : i32
    %convert_element_type3A = arith.extui %eq3A_58 : i1 to i32
    %cond3A = arith.constant 0 : i32
    %cond3A_59 = arith.cmpi ne, %convert_element_type3A, %cond3A : i32
    scf.if %cond3A_59 {
      %broadcast_in_dim3A_81 = arith.constant 0.000000e+00 : f32
      %broadcast_in_dim3A_82 = vector.broadcast %broadcast_in_dim3A_81 : f32 to vector<1x128xf32>
      %swap3A_83 = arith.constant 0 : index
      %swap3A_84 = arith.constant 0 : index
      %swap3A_85 = vector.load %arg8[%swap3A_83, %swap3A_84] : memref<1x128xf32, #tpu.memory_space<vmem>>, vector<1x128xf32>
      tpu.vector_store %arg8[%swap3A_83, %swap3A_84], %broadcast_in_dim3A_82 {strides = array<i32>} : memref<1x128xf32, #tpu.memory_space<vmem>>, vector<1x128xf32>,
      %broadcast_in_dim3A_86 = arith.constant 0.000000e+00 : f32
      %broadcast_in_dim3A_87 = vector.broadcast %broadcast_in_dim3A_86 : f32 to vector<1x128xf32>
      %swap3A_88 = arith.constant 0 : index
      %swap3A_89 = arith.constant 0 : index
      %swap3A_90 = vector.load %arg9[%swap3A_88, %swap3A_89] : memref<1x128xf32, #tpu.memory_space<vmem>>, vector<1x128xf32>
      tpu.vector_store %arg9[%swap3A_88, %swap3A_89], %broadcast_in_dim3A_87 {strides = array<i32>} : memref<1x128xf32, #tpu.memory_space<vmem>>, vector<1x128xf32>,
    } else {
    }
    %get3A_60 = arith.constant 0 : index
    %get3A_61 = arith.constant 0 : index
    %get3A_62 = vector.load %arg8[%get3A_60, %get3A_61] : memref<1x128xf32, #tpu.memory_space<vmem>>, vector<1x128xf32>
    %reduce_sum3A_63 = arith.constant dense<0.000000e+00> : vector<128xf32>
    %reduce_sum3A_64 = vector.multi_reduction <add>, %reduce_max3A_52, %reduce_sum3A_63 [0] : vector<500x128xf32> to vector<128xf32>
    %broadcast_in_dim3A_65 = vector.shape_cast %reduce_sum3A_64 : vector<128xf32> to vector<1x128xf32>
    %add3A_66 = arith.addf %get3A_62, %broadcast_in_dim3A_65 : vector<1x128xf32>
    %swap3A_67 = arith.constant 0 : index
    %swap3A_68 = arith.constant 0 : index
    %swap3A_69 = vector.load %arg8[%swap3A_67, %swap3A_68] : memref<1x128xf32, #tpu.memory_space<vmem>>, vector<1x128xf32>
    tpu.vector_store %arg8[%swap3A_67, %swap3A_68], %add3A_66 {strides = array<i32>} : memref<1x128xf32, #tpu.memory_space<vmem>>, vector<1x128xf32>,
    %get3A_70 = arith.constant 0 : index
    %get3A_71 = arith.constant 0 : index
    %get3A_72 = vector.load %arg9[%get3A_70, %get3A_71] : memref<1x128xf32, #tpu.memory_space<vmem>>, vector<1x128xf32>
    %mul3A_73 = arith.mulf %reduce_max3A_52, %reduce_max3A_52 : vector<500x128xf32>
    %reduce_sum3A_74 = arith.constant dense<0.000000e+00> : vector<128xf32>
    %reduce_sum3A_75 = vector.multi_reduction <add>, %mul3A_73, %reduce_sum3A_74 [0] : vector<500x128xf32> to vector<128xf32>
    %broadcast_in_dim3A_76 = vector.shape_cast %reduce_sum3A_75 : vector<128xf32> to vector<1x128xf32>
    %add3A_77 = arith.addf %get3A_72, %broadcast_in_dim3A_76 : vector<1x128xf32>
    %swap3A_78 = arith.constant 0 : index
    %swap3A_79 = arith.constant 0 : index
    %swap3A_80 = vector.load %arg9[%swap3A_78, %swap3A_79] : memref<1x128xf32, #tpu.memory_space<vmem>>, vector<1x128xf32>
    tpu.vector_store %arg9[%swap3A_78, %swap3A_79], %add3A_77 {strides = array<i32>} : memref<1x128xf32, #tpu.memory_space<vmem>>, vector<1x128xf32>,
    return
  }
  func.func @transform_0(%arg0: i32) -> (i32, i32, i32) {
    %c0_i32 = arith.constant 0 : i32
    %c0_i32_0 = arith.constant 0 : i32
    %c0_i32_1 = arith.constant 0 : i32
    return %arg0, %c0_i32, %c0_i32_0 : i32, i32, i32
  }
  func.func @transform_1(%arg0: i32) -> (i32, i32, i32) {
    %c0_i32 = arith.constant 0 : i32
    %c0_i32_0 = arith.constant 0 : i32
    %c0_i32_1 = arith.constant 0 : i32
    return %arg0, %c0_i32, %c0_i32_0 : i32, i32, i32
  }
  func.func @transform_2(%arg0: i32) -> (i32, i32) {
    %c0_i32 = arith.constant 0 : i32
    %c0_i32_0 = arith.constant 0 : i32
    %c0_i32_1 = arith.constant 0 : i32
    return %c0_i32, %c0_i32_0 : i32, i32
  }
  func.func @transform_3(%arg0: i32) -> (i32, i32) {
    %c0_i32 = arith.constant 0 : i32
    %c0_i32_0 = arith.constant 0 : i32
    %c0_i32_1 = arith.constant 0 : i32
    return %c0_i32, %c0_i32_0 : i32, i32
  }
  func.func @transform_4(%arg0: i32) -> (i32, i32) {
    %c0_i32 = arith.constant 0 : i32
    %c0_i32_0 = arith.constant 0 : i32
    %c0_i32_1 = arith.constant 0 : i32
    return %c0_i32, %c0_i32_0 : i32, i32
  }
  func.func @transform_5(%arg0: i32) -> (i32, i32) {
    %c0_i32 = arith.constant 0 : i32
    %c0_i32_0 = arith.constant 0 : i32
    %c0_i32_1 = arith.constant 0 : i32
    return %c0_i32, %c0_i32_0 : i32, i32
  }
  func.func @transform_6(%arg0: i32) -> (i32, i32, i32) {
    %c0_i32 = arith.constant 0 : i32
    %c0_i32_0 = arith.constant 0 : i32
    %c0_i32_1 = arith.constant 0 : i32
    return %arg0, %c0_i32, %c0_i32_0 : i32, i32, i32
  }
  func.func @transform_7(%arg0: i32) -> (i32, i32) {
    %c0_i32 = arith.constant 0 : i32
    %c0_i32_0 = arith.constant 0 : i32
    %c0_i32_1 = arith.constant 0 : i32
    return %c0_i32, %c0_i32_0 : i32, i32
  }
  func.func @transform_8(%arg0: i32) -> (i32, i32) {
    %c0_i32 = arith.constant 0 : i32
    %c0_i32_0 = arith.constant 0 : i32
    %c0_i32_1 = arith.constant 0 : i32
    return %c0_i32, %c0_i32_0 : i32, i32
  }
}

module attributes {stable_mosaic.version = 14 : i64} {
  func.func @_layer_body(%arg0: i32, %arg1: memref<1x500x500xf32, #tpu.memory_space<vmem>>, %arg2: memref<1x500x128xf32, #tpu.memory_space<vmem>>, %arg3: memref<128x128xf32, #tpu.memory_space<vmem>>, %arg4: memref<1x128xf32, #tpu.memory_space<vmem>>, %arg5: memref<128x1xf32, #tpu.memory_space<vmem>>, %arg6: memref<1x128xf32, #tpu.memory_space<vmem>>, %arg7: memref<1x128xf32, #tpu.memory_space<vmem>>, %arg8: memref<1x128xf32, #tpu.memory_space<vmem>>, %arg9: memref<1x250x128xf32, #tpu.memory_space<vmem>>, %arg10: memref<1x128xf32, #tpu.memory_space<vmem>>, %arg11: memref<1x128xf32, #tpu.memory_space<vmem>>) attributes {dimension_semantics = [#tpu.dimension_semantics<arbitrary>], iteration_bounds = array<i64: 10>, scalar_prefetch = 0 : i64, scratch_operands = 0 : i64, tpu.core_type = #tpu.core_type<tc>, window_params = [{transform_indices = @transform_0, window_bounds = array<i64: 1, 500, 500>}, {transform_indices = @transform_1, window_bounds = array<i64: 1, 500, 128>}, {pipeline_mode = #tpu.pipeline_mode<synchronous>, transform_indices = @transform_2, window_bounds = array<i64: 128, 128>}, {pipeline_mode = #tpu.pipeline_mode<synchronous>, transform_indices = @transform_3, window_bounds = array<i64: 1, 128>}, {pipeline_mode = #tpu.pipeline_mode<synchronous>, transform_indices = @transform_4, window_bounds = array<i64: 128, 1>}, {pipeline_mode = #tpu.pipeline_mode<synchronous>, transform_indices = @transform_5, window_bounds = array<i64: 1, 128>}, {pipeline_mode = #tpu.pipeline_mode<synchronous>, transform_indices = @transform_6, window_bounds = array<i64: 1, 128>}, {pipeline_mode = #tpu.pipeline_mode<synchronous>, transform_indices = @transform_7, window_bounds = array<i64: 1, 128>}, {transform_indices = @transform_8, window_bounds = array<i64: 1, 250, 128>}, {pipeline_mode = #tpu.pipeline_mode<synchronous>, transform_indices = @transform_9, window_bounds = array<i64: 1, 128>}, {pipeline_mode = #tpu.pipeline_mode<synchronous>, transform_indices = @transform_10, window_bounds = array<i64: 1, 128>}]} {
    %get3A = arith.constant 0 : index
    %get3A_0 = arith.constant 0 : index
    %get3A_1 = arith.constant 0 : index
    %get3A_2 = vector.load %arg2[%get3A, %get3A_0, %get3A_1] : memref<1x500x128xf32, #tpu.memory_space<vmem>>, vector<1x500x128xf32>
    %get3A_3 = vector.shape_cast %get3A_2 : vector<1x500x128xf32> to vector<500x128xf32>
    %get3A_4 = arith.constant 0 : index
    %get3A_5 = arith.constant 0 : index
    %get3A_6 = vector.load %arg7[%get3A_4, %get3A_5] : memref<1x128xf32, #tpu.memory_space<vmem>>, vector<1x128xf32>
    %div3A = arith.constant 5.000000e+03 : f32
    %div3A_7 = vector.broadcast %div3A : f32 to vector<1x128xf32>
    %div3A_8 = arith.divf %get3A_6, %div3A_7 : vector<1x128xf32>
    %get3A_9 = arith.constant 0 : index
    %get3A_10 = arith.constant 0 : index
    %get3A_11 = vector.load %arg8[%get3A_9, %get3A_10] : memref<1x128xf32, #tpu.memory_space<vmem>>, vector<1x128xf32>
    %div3A_12 = arith.constant 5.000000e+03 : f32
    %div3A_13 = vector.broadcast %div3A_12 : f32 to vector<1x128xf32>
    %div3A_14 = arith.divf %get3A_11, %div3A_13 : vector<1x128xf32>
    %mul3A = arith.mulf %div3A_8, %div3A_8 : vector<1x128xf32>
    %sub3A = arith.subf %div3A_14, %mul3A : vector<1x128xf32>
    %max3A = arith.constant 0.000000e+00 : f32
    %max3A_15 = vector.broadcast %max3A : f32 to vector<1x128xf32>
    %max3A_16 = arith.maximumf %sub3A, %max3A_15 : vector<1x128xf32>
    %sub3A_17 = vector.broadcast %div3A_8 : vector<1x128xf32> to vector<500x128xf32>
    %sub3A_18 = arith.subf %get3A_3, %sub3A_17 : vector<500x128xf32>
    %add3A = arith.constant 9.99999974E-6 : f32
    %add3A_19 = vector.broadcast %add3A : f32 to vector<1x128xf32>
    %add3A_20 = arith.addf %max3A_16, %add3A_19 : vector<1x128xf32>
    %rsqrt3A = math.rsqrt %add3A_20 : vector<1x128xf32>
    %mul3A_21 = vector.broadcast %rsqrt3A : vector<1x128xf32> to vector<500x128xf32>
    %mul3A_22 = arith.mulf %sub3A_18, %mul3A_21 : vector<500x128xf32>
    %get3A_23 = arith.constant 0 : index
    %get3A_24 = arith.constant 0 : index
    %get3A_25 = vector.load %arg3[%get3A_23, %get3A_24] : memref<128x128xf32, #tpu.memory_space<vmem>>, vector<128x128xf32>
    %dot_general3A = arith.constant dense<0.000000e+00> : vector<500x128xf32>
    %dot_general3A_26 = tpu.matmul %mul3A_22, %get3A_25, %dot_general3A {dimension_numbers = #tpu.dot_dimension_numbers<[1], [0], [0], [1], [0, 0, 1, 1], [], []>, transpose_lhs_hint = false} : vector<500x128xf32>, vector<128x128xf32>, vector<500x128xf32> -> vector<500x128xf32>
    %get3A_27 = arith.constant 0 : index
    %get3A_28 = arith.constant 0 : index
    %get3A_29 = vector.load %arg5[%get3A_27, %get3A_28] : memref<128x1xf32, #tpu.memory_space<vmem>>, vector<128x1xf32>
    %dot_general3A_30 = arith.constant dense<0.000000e+00> : vector<500x1xf32>
    %dot_general3A_31 = tpu.matmul %dot_general3A_26, %get3A_29, %dot_general3A_30 {dimension_numbers = #tpu.dot_dimension_numbers<[1], [0], [0], [1], [0, 0, 1, 1], [], []>, transpose_lhs_hint = false} : vector<500x128xf32>, vector<128x1xf32>, vector<500x1xf32> -> vector<500x1xf32>
    %get3A_32 = arith.constant 0 : index
    %get3A_33 = arith.constant 0 : index
    %get3A_34 = vector.load %arg4[%get3A_32, %get3A_33] : memref<1x128xf32, #tpu.memory_space<vmem>>, vector<1x128xf32>
    %dot_general3A_35 = arith.constant dense<0.000000e+00> : vector<1x500xf32>
    %dot_general3A_36 = tpu.matmul %get3A_34, %dot_general3A_26, %dot_general3A_35 {dimension_numbers = #tpu.dot_dimension_numbers<[1], [1], [0], [0], [0, 0, 1, 0], [], []>, transpose_lhs_hint = false} : vector<1x128xf32>, vector<500x128xf32>, vector<1x500xf32> -> vector<1x500xf32>
    %add3A_37 = vector.broadcast %dot_general3A_31 : vector<500x1xf32> to vector<500x500xf32>
    %add3A_38 = vector.broadcast %dot_general3A_36 : vector<1x500xf32> to vector<500x500xf32>
    %add3A_39 = arith.addf %add3A_37, %add3A_38 : vector<500x500xf32>
    %ge3A = arith.constant 0.000000e+00 : f32
    %ge3A_40 = vector.broadcast %ge3A : f32 to vector<500x500xf32>
    %ge3A_41 = arith.cmpf oge, %add3A_39, %ge3A_40 : vector<500x500xf32>
    %mul3A_42 = arith.constant 2.000000e-01 : f32
    %mul3A_43 = vector.broadcast %mul3A_42 : f32 to vector<500x500xf32>
    %mul3A_44 = arith.mulf %mul3A_43, %add3A_39 : vector<500x500xf32>
    %select_n3A = arith.select %ge3A_41, %add3A_39, %mul3A_44 : vector<500x500xi1>, vector<500x500xf32>
    %get3A_45 = arith.constant 0 : index
    %get3A_46 = arith.constant 0 : index
    %get3A_47 = arith.constant 0 : index
    %get3A_48 = vector.load %arg1[%get3A_45, %get3A_46, %get3A_47] : memref<1x500x500xf32, #tpu.memory_space<vmem>>, vector<1x500x500xf32>
    %get3A_49 = vector.shape_cast %get3A_48 : vector<1x500x500xf32> to vector<500x500xf32>
    %iota3A = tpu.iota {dimensions = array<i32: 0>} : vector<500x500xi32>
    %iota3A_50 = tpu.iota {dimensions = array<i32: 1>} : vector<500x500xi32>
    %eq3A = arith.cmpi eq, %iota3A, %iota3A_50 : vector<500x500xi32>
    %gt3A = arith.constant 0.000000e+00 : f32
    %gt3A_51 = vector.broadcast %gt3A : f32 to vector<500x500xf32>
    %gt3A_52 = arith.cmpf ogt, %get3A_49, %gt3A_51 : vector<500x500xf32>
    %jit3A = arith.constant 1.000000e+00 : f32
    %jit3A_53 = arith.constant 0.000000e+00 : f32
    %broadcast_in_dim3A = vector.broadcast %jit3A : f32 to vector<500x500xf32>
    %broadcast_in_dim3A_54 = vector.broadcast %jit3A_53 : f32 to vector<500x500xf32>
    %select_n3A_55 = arith.select %gt3A_52, %broadcast_in_dim3A, %broadcast_in_dim3A_54 : vector<500x500xi1>, vector<500x500xf32>
    %jit3A_56 = arith.constant 1.000000e+00 : f32
    %broadcast_in_dim3A_57 = vector.broadcast %jit3A_56 : f32 to vector<500x500xf32>
    %select_n3A_58 = arith.select %eq3A, %broadcast_in_dim3A_57, %select_n3A_55 : vector<500x500xi1>, vector<500x500xf32>
    %gt3A_59 = arith.constant 0.000000e+00 : f32
    %gt3A_60 = vector.broadcast %gt3A_59 : f32 to vector<500x500xf32>
    %gt3A_61 = arith.cmpf ogt, %select_n3A_58, %gt3A_60 : vector<500x500xf32>
    %jit3A_62 = arith.constant -1.000000e+30 : f32
    %broadcast_in_dim3A_63 = vector.broadcast %jit3A_62 : f32 to vector<500x500xf32>
    %select_n3A_64 = arith.select %gt3A_61, %select_n3A, %broadcast_in_dim3A_63 : vector<500x500xi1>, vector<500x500xf32>
    %reduce_max3A = arith.constant dense<0xFF800000> : vector<500xf32>
    %reduce_max3A_65 = vector.multi_reduction <maximumf>, %select_n3A_64, %reduce_max3A [1] : vector<500x500xf32> to vector<500xf32>
    %broadcast_in_dim3A_66 = vector.shape_cast %reduce_max3A_65 : vector<500xf32> to vector<500x1xf32>
    %sub3A_67 = vector.broadcast %broadcast_in_dim3A_66 : vector<500x1xf32> to vector<500x500xf32>
    %sub3A_68 = arith.subf %select_n3A_64, %sub3A_67 : vector<500x500xf32>
    %exp3A = math.exp %sub3A_68 : vector<500x500xf32>
    %mul3A_69 = arith.mulf %select_n3A_58, %exp3A : vector<500x500xf32>
    %reduce_sum3A = arith.constant dense<0.000000e+00> : vector<500xf32>
    %reduce_sum3A_70 = vector.multi_reduction <add>, %mul3A_69, %reduce_sum3A [1] : vector<500x500xf32> to vector<500xf32>
    %broadcast_in_dim3A_71 = vector.shape_cast %reduce_sum3A_70 : vector<500xf32> to vector<500x1xf32>
    %add3A_72 = arith.constant 1.000000e-16 : f32
    %add3A_73 = vector.broadcast %add3A_72 : f32 to vector<500x1xf32>
    %add3A_74 = arith.addf %broadcast_in_dim3A_71, %add3A_73 : vector<500x1xf32>
    %div3A_75 = vector.broadcast %add3A_74 : vector<500x1xf32> to vector<500x500xf32>
    %div3A_76 = arith.divf %mul3A_69, %div3A_75 : vector<500x500xf32>
    %dot_general3A_77 = arith.constant dense<0.000000e+00> : vector<500x128xf32>
    %dot_general3A_78 = tpu.matmul %div3A_76, %dot_general3A_26, %dot_general3A_77 {dimension_numbers = #tpu.dot_dimension_numbers<[1], [0], [0], [1], [0, 0, 1, 1], [], []>, precision = #tpu.contract_precision<fp32>, transpose_lhs_hint = false} : vector<500x500xf32>, vector<500x128xf32>, vector<500x128xf32> -> vector<500x128xf32>
    %get3A_79 = arith.constant 0 : index
    %get3A_80 = arith.constant 0 : index
    %get3A_81 = vector.load %arg6[%get3A_79, %get3A_80] : memref<1x128xf32, #tpu.memory_space<vmem>>, vector<1x128xf32>
    %add3A_82 = vector.broadcast %get3A_81 : vector<1x128xf32> to vector<500x128xf32>
    %add3A_83 = arith.addf %dot_general3A_78, %add3A_82 : vector<500x128xf32>
    %max3A_84 = arith.constant 0.000000e+00 : f32
    %max3A_85 = vector.broadcast %max3A_84 : f32 to vector<500x128xf32>
    %max3A_86 = arith.maximumf %add3A_83, %max3A_85 : vector<500x128xf32>
    %reshape3A = vector.shape_cast %max3A_86 : vector<500x128xf32> to vector<250x2x128xf32>
    %reduce_max3A_87 = arith.constant dense<0xFF800000> : vector<250x128xf32>
    %reduce_max3A_88 = vector.multi_reduction <maximumf>, %reshape3A, %reduce_max3A_87 [1] : vector<250x2x128xf32> to vector<250x128xf32>
    %swap3A = arith.constant 0 : index
    %swap3A_89 = arith.constant 0 : index
    %swap3A_90 = arith.constant 0 : index
    %swap3A_91 = vector.load %arg9[%swap3A, %swap3A_89, %swap3A_90] : memref<1x250x128xf32, #tpu.memory_space<vmem>>, vector<1x250x128xf32>
    %swap3A_92 = vector.shape_cast %swap3A_91 : vector<1x250x128xf32> to vector<250x128xf32>
    %swap3A_93 = vector.shape_cast %reduce_max3A_88 : vector<250x128xf32> to vector<1x250x128xf32>
    tpu.vector_store %arg9[%swap3A, %swap3A_89, %swap3A_90], %swap3A_93 {strides = array<i32>} : memref<1x250x128xf32, #tpu.memory_space<vmem>>, vector<1x250x128xf32>,
    %eq3A_94 = arith.constant 0 : i32
    %eq3A_95 = arith.cmpi eq, %arg0, %eq3A_94 : i32
    %convert_element_type3A = arith.extui %eq3A_95 : i1 to i32
    %cond3A = arith.constant 0 : i32
    %cond3A_96 = arith.cmpi ne, %convert_element_type3A, %cond3A : i32
    scf.if %cond3A_96 {
      %broadcast_in_dim3A_118 = arith.constant 0.000000e+00 : f32
      %broadcast_in_dim3A_119 = vector.broadcast %broadcast_in_dim3A_118 : f32 to vector<1x128xf32>
      %swap3A_120 = arith.constant 0 : index
      %swap3A_121 = arith.constant 0 : index
      %swap3A_122 = vector.load %arg10[%swap3A_120, %swap3A_121] : memref<1x128xf32, #tpu.memory_space<vmem>>, vector<1x128xf32>
      tpu.vector_store %arg10[%swap3A_120, %swap3A_121], %broadcast_in_dim3A_119 {strides = array<i32>} : memref<1x128xf32, #tpu.memory_space<vmem>>, vector<1x128xf32>,
      %broadcast_in_dim3A_123 = arith.constant 0.000000e+00 : f32
      %broadcast_in_dim3A_124 = vector.broadcast %broadcast_in_dim3A_123 : f32 to vector<1x128xf32>
      %swap3A_125 = arith.constant 0 : index
      %swap3A_126 = arith.constant 0 : index
      %swap3A_127 = vector.load %arg11[%swap3A_125, %swap3A_126] : memref<1x128xf32, #tpu.memory_space<vmem>>, vector<1x128xf32>
      tpu.vector_store %arg11[%swap3A_125, %swap3A_126], %broadcast_in_dim3A_124 {strides = array<i32>} : memref<1x128xf32, #tpu.memory_space<vmem>>, vector<1x128xf32>,
    } else {
    }
    %get3A_97 = arith.constant 0 : index
    %get3A_98 = arith.constant 0 : index
    %get3A_99 = vector.load %arg10[%get3A_97, %get3A_98] : memref<1x128xf32, #tpu.memory_space<vmem>>, vector<1x128xf32>
    %reduce_sum3A_100 = arith.constant dense<0.000000e+00> : vector<128xf32>
    %reduce_sum3A_101 = vector.multi_reduction <add>, %reduce_max3A_88, %reduce_sum3A_100 [0] : vector<250x128xf32> to vector<128xf32>
    %broadcast_in_dim3A_102 = vector.shape_cast %reduce_sum3A_101 : vector<128xf32> to vector<1x128xf32>
    %add3A_103 = arith.addf %get3A_99, %broadcast_in_dim3A_102 : vector<1x128xf32>
    %swap3A_104 = arith.constant 0 : index
    %swap3A_105 = arith.constant 0 : index
    %swap3A_106 = vector.load %arg10[%swap3A_104, %swap3A_105] : memref<1x128xf32, #tpu.memory_space<vmem>>, vector<1x128xf32>
    tpu.vector_store %arg10[%swap3A_104, %swap3A_105], %add3A_103 {strides = array<i32>} : memref<1x128xf32, #tpu.memory_space<vmem>>, vector<1x128xf32>,
    %get3A_107 = arith.constant 0 : index
    %get3A_108 = arith.constant 0 : index
    %get3A_109 = vector.load %arg11[%get3A_107, %get3A_108] : memref<1x128xf32, #tpu.memory_space<vmem>>, vector<1x128xf32>
    %mul3A_110 = arith.mulf %reduce_max3A_88, %reduce_max3A_88 : vector<250x128xf32>
    %reduce_sum3A_111 = arith.constant dense<0.000000e+00> : vector<128xf32>
    %reduce_sum3A_112 = vector.multi_reduction <add>, %mul3A_110, %reduce_sum3A_111 [0] : vector<250x128xf32> to vector<128xf32>
    %broadcast_in_dim3A_113 = vector.shape_cast %reduce_sum3A_112 : vector<128xf32> to vector<1x128xf32>
    %add3A_114 = arith.addf %get3A_109, %broadcast_in_dim3A_113 : vector<1x128xf32>
    %swap3A_115 = arith.constant 0 : index
    %swap3A_116 = arith.constant 0 : index
    %swap3A_117 = vector.load %arg11[%swap3A_115, %swap3A_116] : memref<1x128xf32, #tpu.memory_space<vmem>>, vector<1x128xf32>
    tpu.vector_store %arg11[%swap3A_115, %swap3A_116], %add3A_114 {strides = array<i32>} : memref<1x128xf32, #tpu.memory_space<vmem>>, vector<1x128xf32>,
    return
  }
  func.func @transform_0(%arg0: i32) -> (i32, i32, i32) {
    %c0_i32 = arith.constant 0 : i32
    %c0_i32_0 = arith.constant 0 : i32
    %c0_i32_1 = arith.constant 0 : i32
    return %arg0, %c0_i32, %c0_i32_0 : i32, i32, i32
  }
  func.func @transform_1(%arg0: i32) -> (i32, i32, i32) {
    %c0_i32 = arith.constant 0 : i32
    %c0_i32_0 = arith.constant 0 : i32
    %c0_i32_1 = arith.constant 0 : i32
    return %arg0, %c0_i32, %c0_i32_0 : i32, i32, i32
  }
  func.func @transform_2(%arg0: i32) -> (i32, i32) {
    %c0_i32 = arith.constant 0 : i32
    %c0_i32_0 = arith.constant 0 : i32
    %c0_i32_1 = arith.constant 0 : i32
    return %c0_i32, %c0_i32_0 : i32, i32
  }
  func.func @transform_3(%arg0: i32) -> (i32, i32) {
    %c0_i32 = arith.constant 0 : i32
    %c0_i32_0 = arith.constant 0 : i32
    %c0_i32_1 = arith.constant 0 : i32
    return %c0_i32, %c0_i32_0 : i32, i32
  }
  func.func @transform_4(%arg0: i32) -> (i32, i32) {
    %c0_i32 = arith.constant 0 : i32
    %c0_i32_0 = arith.constant 0 : i32
    %c0_i32_1 = arith.constant 0 : i32
    return %c0_i32, %c0_i32_0 : i32, i32
  }
  func.func @transform_5(%arg0: i32) -> (i32, i32) {
    %c0_i32 = arith.constant 0 : i32
    %c0_i32_0 = arith.constant 0 : i32
    %c0_i32_1 = arith.constant 0 : i32
    return %c0_i32, %c0_i32_0 : i32, i32
  }
  func.func @transform_6(%arg0: i32) -> (i32, i32) {
    %c0_i32 = arith.constant 0 : i32
    %c0_i32_0 = arith.constant 0 : i32
    %c0_i32_1 = arith.constant 0 : i32
    return %c0_i32, %c0_i32_0 : i32, i32
  }
  func.func @transform_7(%arg0: i32) -> (i32, i32) {
    %c0_i32 = arith.constant 0 : i32
    %c0_i32_0 = arith.constant 0 : i32
    %c0_i32_1 = arith.constant 0 : i32
    return %c0_i32, %c0_i32_0 : i32, i32
  }
  func.func @transform_8(%arg0: i32) -> (i32, i32, i32) {
    %c0_i32 = arith.constant 0 : i32
    %c0_i32_0 = arith.constant 0 : i32
    %c0_i32_1 = arith.constant 0 : i32
    return %arg0, %c0_i32, %c0_i32_0 : i32, i32, i32
  }
  func.func @transform_9(%arg0: i32) -> (i32, i32) {
    %c0_i32 = arith.constant 0 : i32
    %c0_i32_0 = arith.constant 0 : i32
    %c0_i32_1 = arith.constant 0 : i32
    return %c0_i32, %c0_i32_0 : i32, i32
  }
  func.func @transform_10(%arg0: i32) -> (i32, i32) {
    %c0_i32 = arith.constant 0 : i32
    %c0_i32_0 = arith.constant 0 : i32
    %c0_i32_1 = arith.constant 0 : i32
    return %c0_i32, %c0_i32_0 : i32, i32
  }
}

module attributes {stable_mosaic.version = 14 : i64} {
  func.func @_layer_body(%arg0: i32, %arg1: memref<1x250x256xf32, #tpu.memory_space<vmem>>, %arg2: memref<1x250x128xf32, #tpu.memory_space<vmem>>, %arg3: memref<128x128xf32, #tpu.memory_space<vmem>>, %arg4: memref<1x128xf32, #tpu.memory_space<vmem>>, %arg5: memref<128x1xf32, #tpu.memory_space<vmem>>, %arg6: memref<1x128xf32, #tpu.memory_space<vmem>>, %arg7: memref<1x128xf32, #tpu.memory_space<vmem>>, %arg8: memref<1x128xf32, #tpu.memory_space<vmem>>, %arg9: memref<1x125x128xf32, #tpu.memory_space<vmem>>, %arg10: memref<1x128xf32, #tpu.memory_space<vmem>>, %arg11: memref<1x128xf32, #tpu.memory_space<vmem>>) attributes {dimension_semantics = [#tpu.dimension_semantics<arbitrary>], iteration_bounds = array<i64: 10>, scalar_prefetch = 0 : i64, scratch_operands = 0 : i64, tpu.core_type = #tpu.core_type<tc>, window_params = [{transform_indices = @transform_0, window_bounds = array<i64: 1, 250, 256>}, {transform_indices = @transform_1, window_bounds = array<i64: 1, 250, 128>}, {pipeline_mode = #tpu.pipeline_mode<synchronous>, transform_indices = @transform_2, window_bounds = array<i64: 128, 128>}, {pipeline_mode = #tpu.pipeline_mode<synchronous>, transform_indices = @transform_3, window_bounds = array<i64: 1, 128>}, {pipeline_mode = #tpu.pipeline_mode<synchronous>, transform_indices = @transform_4, window_bounds = array<i64: 128, 1>}, {pipeline_mode = #tpu.pipeline_mode<synchronous>, transform_indices = @transform_5, window_bounds = array<i64: 1, 128>}, {pipeline_mode = #tpu.pipeline_mode<synchronous>, transform_indices = @transform_6, window_bounds = array<i64: 1, 128>}, {pipeline_mode = #tpu.pipeline_mode<synchronous>, transform_indices = @transform_7, window_bounds = array<i64: 1, 128>}, {transform_indices = @transform_8, window_bounds = array<i64: 1, 125, 128>}, {pipeline_mode = #tpu.pipeline_mode<synchronous>, transform_indices = @transform_9, window_bounds = array<i64: 1, 128>}, {pipeline_mode = #tpu.pipeline_mode<synchronous>, transform_indices = @transform_10, window_bounds = array<i64: 1, 128>}]} {
    %get3A = arith.constant 0 : index
    %get3A_0 = arith.constant 0 : index
    %get3A_1 = arith.constant 0 : index
    %get3A_2 = vector.load %arg2[%get3A, %get3A_0, %get3A_1] : memref<1x250x128xf32, #tpu.memory_space<vmem>>, vector<1x250x128xf32>
    %get3A_3 = vector.shape_cast %get3A_2 : vector<1x250x128xf32> to vector<250x128xf32>
    %get3A_4 = arith.constant 0 : index
    %get3A_5 = arith.constant 0 : index
    %get3A_6 = vector.load %arg7[%get3A_4, %get3A_5] : memref<1x128xf32, #tpu.memory_space<vmem>>, vector<1x128xf32>
    %div3A = arith.constant 2.500000e+03 : f32
    %div3A_7 = vector.broadcast %div3A : f32 to vector<1x128xf32>
    %div3A_8 = arith.divf %get3A_6, %div3A_7 : vector<1x128xf32>
    %get3A_9 = arith.constant 0 : index
    %get3A_10 = arith.constant 0 : index
    %get3A_11 = vector.load %arg8[%get3A_9, %get3A_10] : memref<1x128xf32, #tpu.memory_space<vmem>>, vector<1x128xf32>
    %div3A_12 = arith.constant 2.500000e+03 : f32
    %div3A_13 = vector.broadcast %div3A_12 : f32 to vector<1x128xf32>
    %div3A_14 = arith.divf %get3A_11, %div3A_13 : vector<1x128xf32>
    %mul3A = arith.mulf %div3A_8, %div3A_8 : vector<1x128xf32>
    %sub3A = arith.subf %div3A_14, %mul3A : vector<1x128xf32>
    %max3A = arith.constant 0.000000e+00 : f32
    %max3A_15 = vector.broadcast %max3A : f32 to vector<1x128xf32>
    %max3A_16 = arith.maximumf %sub3A, %max3A_15 : vector<1x128xf32>
    %sub3A_17 = vector.broadcast %div3A_8 : vector<1x128xf32> to vector<250x128xf32>
    %sub3A_18 = arith.subf %get3A_3, %sub3A_17 : vector<250x128xf32>
    %add3A = arith.constant 9.99999974E-6 : f32
    %add3A_19 = vector.broadcast %add3A : f32 to vector<1x128xf32>
    %add3A_20 = arith.addf %max3A_16, %add3A_19 : vector<1x128xf32>
    %rsqrt3A = math.rsqrt %add3A_20 : vector<1x128xf32>
    %mul3A_21 = vector.broadcast %rsqrt3A : vector<1x128xf32> to vector<250x128xf32>
    %mul3A_22 = arith.mulf %sub3A_18, %mul3A_21 : vector<250x128xf32>
    %get3A_23 = arith.constant 0 : index
    %get3A_24 = arith.constant 0 : index
    %get3A_25 = vector.load %arg3[%get3A_23, %get3A_24] : memref<128x128xf32, #tpu.memory_space<vmem>>, vector<128x128xf32>
    %dot_general3A = arith.constant dense<0.000000e+00> : vector<250x128xf32>
    %dot_general3A_26 = tpu.matmul %mul3A_22, %get3A_25, %dot_general3A {dimension_numbers = #tpu.dot_dimension_numbers<[1], [0], [0], [1], [0, 0, 1, 1], [], []>, transpose_lhs_hint = false} : vector<250x128xf32>, vector<128x128xf32>, vector<250x128xf32> -> vector<250x128xf32>
    %get3A_27 = arith.constant 0 : index
    %get3A_28 = arith.constant 0 : index
    %get3A_29 = vector.load %arg5[%get3A_27, %get3A_28] : memref<128x1xf32, #tpu.memory_space<vmem>>, vector<128x1xf32>
    %dot_general3A_30 = arith.constant dense<0.000000e+00> : vector<250x1xf32>
    %dot_general3A_31 = tpu.matmul %dot_general3A_26, %get3A_29, %dot_general3A_30 {dimension_numbers = #tpu.dot_dimension_numbers<[1], [0], [0], [1], [0, 0, 1, 1], [], []>, transpose_lhs_hint = false} : vector<250x128xf32>, vector<128x1xf32>, vector<250x1xf32> -> vector<250x1xf32>
    %get3A_32 = arith.constant 0 : index
    %get3A_33 = arith.constant 0 : index
    %get3A_34 = vector.load %arg4[%get3A_32, %get3A_33] : memref<1x128xf32, #tpu.memory_space<vmem>>, vector<1x128xf32>
    %dot_general3A_35 = arith.constant dense<0.000000e+00> : vector<1x250xf32>
    %dot_general3A_36 = tpu.matmul %get3A_34, %dot_general3A_26, %dot_general3A_35 {dimension_numbers = #tpu.dot_dimension_numbers<[1], [1], [0], [0], [0, 0, 1, 0], [], []>, transpose_lhs_hint = false} : vector<1x128xf32>, vector<250x128xf32>, vector<1x250xf32> -> vector<1x250xf32>
    %add3A_37 = vector.broadcast %dot_general3A_31 : vector<250x1xf32> to vector<250x250xf32>
    %add3A_38 = vector.broadcast %dot_general3A_36 : vector<1x250xf32> to vector<250x250xf32>
    %add3A_39 = arith.addf %add3A_37, %add3A_38 : vector<250x250xf32>
    %ge3A = arith.constant 0.000000e+00 : f32
    %ge3A_40 = vector.broadcast %ge3A : f32 to vector<250x250xf32>
    %ge3A_41 = arith.cmpf oge, %add3A_39, %ge3A_40 : vector<250x250xf32>
    %mul3A_42 = arith.constant 2.000000e-01 : f32
    %mul3A_43 = vector.broadcast %mul3A_42 : f32 to vector<250x250xf32>
    %mul3A_44 = arith.mulf %mul3A_43, %add3A_39 : vector<250x250xf32>
    %select_n3A = arith.select %ge3A_41, %add3A_39, %mul3A_44 : vector<250x250xi1>, vector<250x250xf32>
    %get3A_45 = arith.constant 0 : index
    %get3A_46 = arith.constant 0 : index
    %get3A_47 = arith.constant 0 : index
    %get3A_48 = vector.load %arg1[%get3A_45, %get3A_46, %get3A_47] : memref<1x250x256xf32, #tpu.memory_space<vmem>>, vector<1x250x256xf32>
    %get3A_49 = vector.shape_cast %get3A_48 : vector<1x250x256xf32> to vector<250x256xf32>
    %slice3A = vector.extract_strided_slice %get3A_49 {offsets = [0, 0], sizes = [250, 250], strides = [1, 1]} : vector<250x256xf32> to vector<250x250xf32>
    %iota3A = tpu.iota {dimensions = array<i32: 0>} : vector<250x250xi32>
    %iota3A_50 = tpu.iota {dimensions = array<i32: 1>} : vector<250x250xi32>
    %eq3A = arith.cmpi eq, %iota3A, %iota3A_50 : vector<250x250xi32>
    %gt3A = arith.constant 0.000000e+00 : f32
    %gt3A_51 = vector.broadcast %gt3A : f32 to vector<250x250xf32>
    %gt3A_52 = arith.cmpf ogt, %slice3A, %gt3A_51 : vector<250x250xf32>
    %jit3A = arith.constant 1.000000e+00 : f32
    %jit3A_53 = arith.constant 0.000000e+00 : f32
    %broadcast_in_dim3A = vector.broadcast %jit3A : f32 to vector<250x250xf32>
    %broadcast_in_dim3A_54 = vector.broadcast %jit3A_53 : f32 to vector<250x250xf32>
    %select_n3A_55 = arith.select %gt3A_52, %broadcast_in_dim3A, %broadcast_in_dim3A_54 : vector<250x250xi1>, vector<250x250xf32>
    %jit3A_56 = arith.constant 1.000000e+00 : f32
    %broadcast_in_dim3A_57 = vector.broadcast %jit3A_56 : f32 to vector<250x250xf32>
    %select_n3A_58 = arith.select %eq3A, %broadcast_in_dim3A_57, %select_n3A_55 : vector<250x250xi1>, vector<250x250xf32>
    %gt3A_59 = arith.constant 0.000000e+00 : f32
    %gt3A_60 = vector.broadcast %gt3A_59 : f32 to vector<250x250xf32>
    %gt3A_61 = arith.cmpf ogt, %select_n3A_58, %gt3A_60 : vector<250x250xf32>
    %jit3A_62 = arith.constant -1.000000e+30 : f32
    %broadcast_in_dim3A_63 = vector.broadcast %jit3A_62 : f32 to vector<250x250xf32>
    %select_n3A_64 = arith.select %gt3A_61, %select_n3A, %broadcast_in_dim3A_63 : vector<250x250xi1>, vector<250x250xf32>
    %reduce_max3A = arith.constant dense<0xFF800000> : vector<250xf32>
    %reduce_max3A_65 = vector.multi_reduction <maximumf>, %select_n3A_64, %reduce_max3A [1] : vector<250x250xf32> to vector<250xf32>
    %broadcast_in_dim3A_66 = vector.shape_cast %reduce_max3A_65 : vector<250xf32> to vector<250x1xf32>
    %sub3A_67 = vector.broadcast %broadcast_in_dim3A_66 : vector<250x1xf32> to vector<250x250xf32>
    %sub3A_68 = arith.subf %select_n3A_64, %sub3A_67 : vector<250x250xf32>
    %exp3A = math.exp %sub3A_68 : vector<250x250xf32>
    %mul3A_69 = arith.mulf %select_n3A_58, %exp3A : vector<250x250xf32>
    %reduce_sum3A = arith.constant dense<0.000000e+00> : vector<250xf32>
    %reduce_sum3A_70 = vector.multi_reduction <add>, %mul3A_69, %reduce_sum3A [1] : vector<250x250xf32> to vector<250xf32>
    %broadcast_in_dim3A_71 = vector.shape_cast %reduce_sum3A_70 : vector<250xf32> to vector<250x1xf32>
    %add3A_72 = arith.constant 1.000000e-16 : f32
    %add3A_73 = vector.broadcast %add3A_72 : f32 to vector<250x1xf32>
    %add3A_74 = arith.addf %broadcast_in_dim3A_71, %add3A_73 : vector<250x1xf32>
    %div3A_75 = vector.broadcast %add3A_74 : vector<250x1xf32> to vector<250x250xf32>
    %div3A_76 = arith.divf %mul3A_69, %div3A_75 : vector<250x250xf32>
    %dot_general3A_77 = arith.constant dense<0.000000e+00> : vector<250x128xf32>
    %dot_general3A_78 = tpu.matmul %div3A_76, %dot_general3A_26, %dot_general3A_77 {dimension_numbers = #tpu.dot_dimension_numbers<[1], [0], [0], [1], [0, 0, 1, 1], [], []>, precision = #tpu.contract_precision<fp32>, transpose_lhs_hint = false} : vector<250x250xf32>, vector<250x128xf32>, vector<250x128xf32> -> vector<250x128xf32>
    %get3A_79 = arith.constant 0 : index
    %get3A_80 = arith.constant 0 : index
    %get3A_81 = vector.load %arg6[%get3A_79, %get3A_80] : memref<1x128xf32, #tpu.memory_space<vmem>>, vector<1x128xf32>
    %add3A_82 = vector.broadcast %get3A_81 : vector<1x128xf32> to vector<250x128xf32>
    %add3A_83 = arith.addf %dot_general3A_78, %add3A_82 : vector<250x128xf32>
    %max3A_84 = arith.constant 0.000000e+00 : f32
    %max3A_85 = vector.broadcast %max3A_84 : f32 to vector<250x128xf32>
    %max3A_86 = arith.maximumf %add3A_83, %max3A_85 : vector<250x128xf32>
    %reshape3A = vector.shape_cast %max3A_86 : vector<250x128xf32> to vector<125x2x128xf32>
    %reduce_max3A_87 = arith.constant dense<0xFF800000> : vector<125x128xf32>
    %reduce_max3A_88 = vector.multi_reduction <maximumf>, %reshape3A, %reduce_max3A_87 [1] : vector<125x2x128xf32> to vector<125x128xf32>
    %swap3A = arith.constant 0 : index
    %swap3A_89 = arith.constant 0 : index
    %swap3A_90 = arith.constant 0 : index
    %swap3A_91 = vector.load %arg9[%swap3A, %swap3A_89, %swap3A_90] : memref<1x125x128xf32, #tpu.memory_space<vmem>>, vector<1x125x128xf32>
    %swap3A_92 = vector.shape_cast %swap3A_91 : vector<1x125x128xf32> to vector<125x128xf32>
    %swap3A_93 = vector.shape_cast %reduce_max3A_88 : vector<125x128xf32> to vector<1x125x128xf32>
    tpu.vector_store %arg9[%swap3A, %swap3A_89, %swap3A_90], %swap3A_93 {strides = array<i32>} : memref<1x125x128xf32, #tpu.memory_space<vmem>>, vector<1x125x128xf32>,
    %eq3A_94 = arith.constant 0 : i32
    %eq3A_95 = arith.cmpi eq, %arg0, %eq3A_94 : i32
    %convert_element_type3A = arith.extui %eq3A_95 : i1 to i32
    %cond3A = arith.constant 0 : i32
    %cond3A_96 = arith.cmpi ne, %convert_element_type3A, %cond3A : i32
    scf.if %cond3A_96 {
      %broadcast_in_dim3A_118 = arith.constant 0.000000e+00 : f32
      %broadcast_in_dim3A_119 = vector.broadcast %broadcast_in_dim3A_118 : f32 to vector<1x128xf32>
      %swap3A_120 = arith.constant 0 : index
      %swap3A_121 = arith.constant 0 : index
      %swap3A_122 = vector.load %arg10[%swap3A_120, %swap3A_121] : memref<1x128xf32, #tpu.memory_space<vmem>>, vector<1x128xf32>
      tpu.vector_store %arg10[%swap3A_120, %swap3A_121], %broadcast_in_dim3A_119 {strides = array<i32>} : memref<1x128xf32, #tpu.memory_space<vmem>>, vector<1x128xf32>,
      %broadcast_in_dim3A_123 = arith.constant 0.000000e+00 : f32
      %broadcast_in_dim3A_124 = vector.broadcast %broadcast_in_dim3A_123 : f32 to vector<1x128xf32>
      %swap3A_125 = arith.constant 0 : index
      %swap3A_126 = arith.constant 0 : index
      %swap3A_127 = vector.load %arg11[%swap3A_125, %swap3A_126] : memref<1x128xf32, #tpu.memory_space<vmem>>, vector<1x128xf32>
      tpu.vector_store %arg11[%swap3A_125, %swap3A_126], %broadcast_in_dim3A_124 {strides = array<i32>} : memref<1x128xf32, #tpu.memory_space<vmem>>, vector<1x128xf32>,
    } else {
    }
    %get3A_97 = arith.constant 0 : index
    %get3A_98 = arith.constant 0 : index
    %get3A_99 = vector.load %arg10[%get3A_97, %get3A_98] : memref<1x128xf32, #tpu.memory_space<vmem>>, vector<1x128xf32>
    %reduce_sum3A_100 = arith.constant dense<0.000000e+00> : vector<128xf32>
    %reduce_sum3A_101 = vector.multi_reduction <add>, %reduce_max3A_88, %reduce_sum3A_100 [0] : vector<125x128xf32> to vector<128xf32>
    %broadcast_in_dim3A_102 = vector.shape_cast %reduce_sum3A_101 : vector<128xf32> to vector<1x128xf32>
    %add3A_103 = arith.addf %get3A_99, %broadcast_in_dim3A_102 : vector<1x128xf32>
    %swap3A_104 = arith.constant 0 : index
    %swap3A_105 = arith.constant 0 : index
    %swap3A_106 = vector.load %arg10[%swap3A_104, %swap3A_105] : memref<1x128xf32, #tpu.memory_space<vmem>>, vector<1x128xf32>
    tpu.vector_store %arg10[%swap3A_104, %swap3A_105], %add3A_103 {strides = array<i32>} : memref<1x128xf32, #tpu.memory_space<vmem>>, vector<1x128xf32>,
    %get3A_107 = arith.constant 0 : index
    %get3A_108 = arith.constant 0 : index
    %get3A_109 = vector.load %arg11[%get3A_107, %get3A_108] : memref<1x128xf32, #tpu.memory_space<vmem>>, vector<1x128xf32>
    %mul3A_110 = arith.mulf %reduce_max3A_88, %reduce_max3A_88 : vector<125x128xf32>
    %reduce_sum3A_111 = arith.constant dense<0.000000e+00> : vector<128xf32>
    %reduce_sum3A_112 = vector.multi_reduction <add>, %mul3A_110, %reduce_sum3A_111 [0] : vector<125x128xf32> to vector<128xf32>
    %broadcast_in_dim3A_113 = vector.shape_cast %reduce_sum3A_112 : vector<128xf32> to vector<1x128xf32>
    %add3A_114 = arith.addf %get3A_109, %broadcast_in_dim3A_113 : vector<1x128xf32>
    %swap3A_115 = arith.constant 0 : index
    %swap3A_116 = arith.constant 0 : index
    %swap3A_117 = vector.load %arg11[%swap3A_115, %swap3A_116] : memref<1x128xf32, #tpu.memory_space<vmem>>, vector<1x128xf32>
    tpu.vector_store %arg11[%swap3A_115, %swap3A_116], %add3A_114 {strides = array<i32>} : memref<1x128xf32, #tpu.memory_space<vmem>>, vector<1x128xf32>,
    return
  }
  func.func @transform_0(%arg0: i32) -> (i32, i32, i32) {
    %c0_i32 = arith.constant 0 : i32
    %c0_i32_0 = arith.constant 0 : i32
    %c0_i32_1 = arith.constant 0 : i32
    return %arg0, %c0_i32, %c0_i32_0 : i32, i32, i32
  }
  func.func @transform_1(%arg0: i32) -> (i32, i32, i32) {
    %c0_i32 = arith.constant 0 : i32
    %c0_i32_0 = arith.constant 0 : i32
    %c0_i32_1 = arith.constant 0 : i32
    return %arg0, %c0_i32, %c0_i32_0 : i32, i32, i32
  }
  func.func @transform_2(%arg0: i32) -> (i32, i32) {
    %c0_i32 = arith.constant 0 : i32
    %c0_i32_0 = arith.constant 0 : i32
    %c0_i32_1 = arith.constant 0 : i32
    return %c0_i32, %c0_i32_0 : i32, i32
  }
  func.func @transform_3(%arg0: i32) -> (i32, i32) {
    %c0_i32 = arith.constant 0 : i32
    %c0_i32_0 = arith.constant 0 : i32
    %c0_i32_1 = arith.constant 0 : i32
    return %c0_i32, %c0_i32_0 : i32, i32
  }
  func.func @transform_4(%arg0: i32) -> (i32, i32) {
    %c0_i32 = arith.constant 0 : i32
    %c0_i32_0 = arith.constant 0 : i32
    %c0_i32_1 = arith.constant 0 : i32
    return %c0_i32, %c0_i32_0 : i32, i32
  }
  func.func @transform_5(%arg0: i32) -> (i32, i32) {
    %c0_i32 = arith.constant 0 : i32
    %c0_i32_0 = arith.constant 0 : i32
    %c0_i32_1 = arith.constant 0 : i32
    return %c0_i32, %c0_i32_0 : i32, i32
  }
  func.func @transform_6(%arg0: i32) -> (i32, i32) {
    %c0_i32 = arith.constant 0 : i32
    %c0_i32_0 = arith.constant 0 : i32
    %c0_i32_1 = arith.constant 0 : i32
    return %c0_i32, %c0_i32_0 : i32, i32
  }
  func.func @transform_7(%arg0: i32) -> (i32, i32) {
    %c0_i32 = arith.constant 0 : i32
    %c0_i32_0 = arith.constant 0 : i32
    %c0_i32_1 = arith.constant 0 : i32
    return %c0_i32, %c0_i32_0 : i32, i32
  }
  func.func @transform_8(%arg0: i32) -> (i32, i32, i32) {
    %c0_i32 = arith.constant 0 : i32
    %c0_i32_0 = arith.constant 0 : i32
    %c0_i32_1 = arith.constant 0 : i32
    return %arg0, %c0_i32, %c0_i32_0 : i32, i32, i32
  }
  func.func @transform_9(%arg0: i32) -> (i32, i32) {
    %c0_i32 = arith.constant 0 : i32
    %c0_i32_0 = arith.constant 0 : i32
    %c0_i32_1 = arith.constant 0 : i32
    return %c0_i32, %c0_i32_0 : i32, i32
  }
  func.func @transform_10(%arg0: i32) -> (i32, i32) {
    %c0_i32 = arith.constant 0 : i32
    %c0_i32_0 = arith.constant 0 : i32
    %c0_i32_1 = arith.constant 0 : i32
    return %c0_i32, %c0_i32_0 : i32, i32
  }
}

module attributes {stable_mosaic.version = 14 : i64} {
  func.func @_bn_final_body(%arg0: memref<10x125x128xf32, #tpu.memory_space<vmem>>, %arg1: memref<1x128xf32, #tpu.memory_space<vmem>>, %arg2: memref<1x128xf32, #tpu.memory_space<vmem>>, %arg3: memref<10x125x128xf32, #tpu.memory_space<vmem>>) attributes {dimension_semantics = [], scalar_prefetch = 0 : i64, scratch_operands = 0 : i64, tpu.core_type = #tpu.core_type<tc>} {
    %get3A = arith.constant 0 : index
    %get3A_0 = arith.constant 0 : index
    %get3A_1 = arith.constant 0 : index
    %get3A_2 = vector.load %arg0[%get3A, %get3A_0, %get3A_1] : memref<10x125x128xf32, #tpu.memory_space<vmem>>, vector<10x125x128xf32>
    %get3A_3 = arith.constant 0 : index
    %get3A_4 = arith.constant 0 : index
    %get3A_5 = vector.load %arg1[%get3A_3, %get3A_4] : memref<1x128xf32, #tpu.memory_space<vmem>>, vector<1x128xf32>
    %div3A = arith.constant 1.250000e+03 : f32
    %div3A_6 = vector.broadcast %div3A : f32 to vector<1x128xf32>
    %div3A_7 = arith.divf %get3A_5, %div3A_6 : vector<1x128xf32>
    %get3A_8 = arith.constant 0 : index
    %get3A_9 = arith.constant 0 : index
    %get3A_10 = vector.load %arg2[%get3A_8, %get3A_9] : memref<1x128xf32, #tpu.memory_space<vmem>>, vector<1x128xf32>
    %div3A_11 = arith.constant 1.250000e+03 : f32
    %div3A_12 = vector.broadcast %div3A_11 : f32 to vector<1x128xf32>
    %div3A_13 = arith.divf %get3A_10, %div3A_12 : vector<1x128xf32>
    %mul3A = arith.mulf %div3A_7, %div3A_7 : vector<1x128xf32>
    %sub3A = arith.subf %div3A_13, %mul3A : vector<1x128xf32>
    %max3A = arith.constant 0.000000e+00 : f32
    %max3A_14 = vector.broadcast %max3A : f32 to vector<1x128xf32>
    %max3A_15 = arith.maximumf %sub3A, %max3A_14 : vector<1x128xf32>
    %broadcast_in_dim3A = vector.shape_cast %div3A_7 : vector<1x128xf32> to vector<1x1x128xf32>
    %sub3A_16 = vector.broadcast %broadcast_in_dim3A : vector<1x1x128xf32> to vector<10x125x128xf32>
    %sub3A_17 = arith.subf %get3A_2, %sub3A_16 : vector<10x125x128xf32>
    %broadcast_in_dim3A_18 = vector.shape_cast %max3A_15 : vector<1x128xf32> to vector<1x1x128xf32>
    %add3A = arith.constant 9.99999974E-6 : f32
    %add3A_19 = vector.broadcast %add3A : f32 to vector<1x1x128xf32>
    %add3A_20 = arith.addf %broadcast_in_dim3A_18, %add3A_19 : vector<1x1x128xf32>
    %rsqrt3A = math.rsqrt %add3A_20 : vector<1x1x128xf32>
    %mul3A_21 = vector.broadcast %rsqrt3A : vector<1x1x128xf32> to vector<10x125x128xf32>
    %mul3A_22 = arith.mulf %sub3A_17, %mul3A_21 : vector<10x125x128xf32>
    %swap3A = arith.constant 0 : index
    %swap3A_23 = arith.constant 0 : index
    %swap3A_24 = arith.constant 0 : index
    %swap3A_25 = vector.load %arg3[%swap3A, %swap3A_23, %swap3A_24] : memref<10x125x128xf32, #tpu.memory_space<vmem>>, vector<10x125x128xf32>
    tpu.vector_store %arg3[%swap3A, %swap3A_23, %swap3A_24], %mul3A_22 {strides = array<i32>} : memref<10x125x128xf32, #tpu.memory_space<vmem>>, vector<10x125x128xf32>,
    return
  }
}

</mosaic_0001>

<sc_bundles>
// kernel: kernel.8.cloned.1.call-start
scs
__scs_entry_jumppad:
0x0: {  	(pc) =	sbr.rel $0x88, $3  }
0x1: {  	(tag) =	ssettag $0x0;
	lr =	simm.s32 $0x1  }
0x2: {  	[smem:$0x3F93] =	sst lr;
	_ =	strace $0xD0000000  }
0x3: {  	_ = 	snop  }
0x4: {  	_ = 	snop  }
0x5: {  	_ = 	snop  }
0x6: {  	_ = 	snop  }
0x7: {  	_ = 	snop  }
__scs_overlays_trampoline_lowered:
0x8: {  	[smem:$0x3FA2] =	sst s0  }
0x9: {  	[smem:$0x3FA3] =	sst s1  }
0xa: {  	[smem:$0x3FA4] =	sst s2  }
0xb: {  	[smem:$0x3FA5] =	sst s3  }
0xc: {  	[smem:$0x3FA6] =	sst s4  }
0xd: {  	[smem:$0x3FA7] =	sst s5  }
0xe: {  	[smem:$0x3FA8] =	sst s6  }
0xf: {  	[smem:$0x3FA9] =	sst s7  }
0x10: {  	[smem:$0x3FAA] =	sst s8  }
0x11: {  	[smem:$0x3FAB] =	sst s9;
	s0 =	simm.s32 @!p0 $0x0  }
0x12: {  	s1 =	sld [smem:$0x3F91];
	s0 =	simm.s32 @p0 $0x1  }
0x13: {  	[smem:$0x3FAC] =	sst s0;
	s0 =	simm.s32 @!p1 $0x0  }
0x14: {  	s2 =	sld [smem:$0x3F90];
	s0 =	simm.s32 @p1 $0x1  }
0x15: {  	[smem:$0x3FAD] =	sst s0;
	s0 =	simm.s32 @!p2 $0x0  }
0x16: {  	s3 =	sld [smem:$0x3FDB];
	s0 =	simm.s32 @p2 $0x1  }
0x17: {  	s4 =	simm.s32 $0x1BF5;
	[smem:$0x3FAF] =	sst s0  }
0x18: {  	s0 =	sld [smem:$0x3F92];
	_ =	swait.ge [sflag:s4], $0x0  }
0x19: {  	s7 =	sld [smem:$0x3F93]  }
0x1a: {  	s8 =	sadd.s32 $0xFFFFE003, lr  }
0x1b: {  	s9 =	sadd.s32 $0xFFFFFEF7, lr;
	s5 =	simm.s32 $0xFFFFFFFF;
	p2 =	slt.u32 s8, $0xFFFFF086  }
0x1c: {  	p1 =	slt.u32 s9, $0xF7A;
	s5 =	simm.s32 @!p2 $0x0  }
0x1d: {  	s5 =	simm.s32 @p1 $0x1;
	p0 =	seq.s32 s7, s2  }
0x1e: {  	s7 =	smul.u32 @!p0 $0xF7A, s2;
	p2 =	seq.s32 @!p0 s5, $0x0  }
0x1f: {  	s9 =	smul.u32 $0xF7A, s1;
	s8 =	simm.s32 @!p0 $0x1BF5;
	p2 =	por !p2, p0  }
0x20: {  	[sflag:s8] =	ssyncset.s32 @!p0 $0xFFFFF086;
	s6 =	sadd.s32 @!p0 s3, s7;
	s7 =	simm.s32 @!p0 $0x108  }
0x21: {  	s3 =	sadd.s32 s3, s9;
	s6 =	sadd.s32 @!p0 $0x88, s6;
	s7 =	simm.s32 @p2 $0x1082  }
0x22: {  	[simem:s7], [sflag:s8] =	dma.local @!p0 [hbm:s6], $0xF7A  }
0x23: {  	s9 =	sor.u32 $0xD0000000, s2;
	s6 =	simm.s32 $0x108;
	_ =	swait.ge @!p0 [sflag:s8], $0x0  }
0x24: {  	s3 =	sadd.s32 $0x88, s3;
	s6 =	simm.s32 @!p1 $0x1082;
	[sflag:s4] =	ssyncset.s32 $0xFFFFF086  }
0x25: {  	[simem:s6], [sflag:s4] =	dma.local [hbm:s3], $0xF7A  }
0x26: {  	[smem:$0x3F93] =	sst s1;
	(tag) =	ssettag s2;
	_ =	strace s9  }
0x27: {  	s1 =	sld [smem:$0x3FA3]  }
0x28: {  	s2 =	sld [smem:$0x3FA4]  }
0x29: {  	s4 =	sld [smem:$0x3FA6]  }
0x2a: {  	p0 =	seq.s32 s5, $0x0;
	s5 =	sld [smem:$0x3FA7]  }
0x2b: {  	s6 =	sld [smem:$0x3FA8]  }
0x2c: {  	s7 =	sld [smem:$0x3FA9]  }
0x2d: {  	s3 =	simm.s32 $0x108;
	s8 =	sld [smem:$0x3FAA]  }
0x2e: {  	s3 =	simm.s32 @!p0 $0x1082;
	s9 =	sld [smem:$0x3FAB]  }
0x2f: {  	lr =	sadd.s32 s0, s3;
	s0 =	sld [smem:$0x3FA2]  }
0x30: {  	s3 =	sld [smem:$0x3FA5]  }
0x31: {  	[smem:$0x3FAE] =	sst s10  }
0x32: {  	s10 =	sld [smem:$0x3FAC];
	_ =	sdelay $0x3  }
0x33: {  	p0 =	seq.s32 s10, $0x1;
	s10 =	sld [smem:$0x3FAE];
	_ =	sdelay $0x3  }
0x34: {  	[smem:$0x3FAE] =	sst s10  }
0x35: {  	s10 =	sld [smem:$0x3FAD];
	_ =	sdelay $0x3  }
0x36: {  	p1 =	seq.s32 s10, $0x1;
	s10 =	sld [smem:$0x3FAE];
	_ =	sdelay $0x3  }
0x37: {  	[smem:$0x3FAE] =	sst s10  }
0x38: {  	s10 =	sld [smem:$0x3FAF]  }
0x39: {  	_ = 	snop;
	(pc) =	sbr.ind lr, $3  }
0x3a: {  	_ = 	snop  }
0x3b: {  	_ = 	snop  }
0x3c: {  	p2 =	seq.s32 s10, $0x1;
	s10 =	sld [smem:$0x3FAE]  }
0x3d: {  	_ =	shalt  }
0x3e: {  	_ =	shalt  }
0x3f: {  	_ =	shalt  }
0x40: {  	_ =	shalt  }
0x41: {  	_ =	shalt  }
0x42: {  	_ =	shalt  }
0x43: {  	_ =	shalt  }
0x44: {  	_ =	shalt  }
0x45: {  	_ =	shalt  }
0x46: {  	_ =	shalt  }
0x47: {  	_ =	shalt  }
0x48: {  	_ =	shalt  }
0x49: {  	_ =	shalt  }
0x4a: {  	_ =	shalt  }
0x4b: {  	_ =	shalt  }
0x4c: {  	_ =	shalt  }
0x4d: {  	_ =	shalt  }
0x4e: {  	_ =	shalt  }
0x4f: {  	_ =	shalt  }
0x50: {  	_ =	shalt  }
0x51: {  	_ =	shalt  }
0x52: {  	_ =	shalt  }
0x53: {  	_ =	shalt  }
0x54: {  	_ =	shalt  }
0x55: {  	_ =	shalt  }
0x56: {  	_ =	shalt  }
0x57: {  	_ =	shalt  }
0x58: {  	_ =	shalt  }
0x59: {  	_ =	shalt  }
0x5a: {  	_ =	shalt  }
0x5b: {  	_ =	shalt  }
0x5c: {  	_ =	shalt  }
0x5d: {  	_ =	shalt  }
0x5e: {  	_ =	shalt  }
0x5f: {  	_ =	shalt  }
0x60: {  	_ =	shalt  }
0x61: {  	_ =	shalt  }
0x62: {  	_ =	shalt  }
0x63: {  	_ =	shalt  }
0x64: {  	_ =	shalt  }
0x65: {  	_ =	shalt  }
0x66: {  	_ =	shalt  }
0x67: {  	_ =	shalt  }
0x68: {  	_ =	shalt  }
0x69: {  	_ =	shalt  }
0x6a: {  	_ =	shalt  }
0x6b: {  	_ =	shalt  }
0x6c: {  	_ =	shalt  }
0x6d: {  	_ =	shalt  }
0x6e: {  	_ =	shalt  }
0x6f: {  	_ =	shalt  }
0x70: {  	_ =	shalt  }
0x71: {  	_ =	shalt  }
0x72: {  	_ =	shalt  }
0x73: {  	_ =	shalt  }
0x74: {  	_ =	shalt  }
0x75: {  	_ =	shalt  }
0x76: {  	_ =	shalt  }
0x77: {  	_ =	shalt  }
0x78: {  	_ =	shalt  }
0x79: {  	_ =	shalt  }
0x7a: {  	_ =	shalt  }
0x7b: {  	_ =	shalt  }
0x7c: {  	_ =	shalt  }
0x7d: {  	_ =	shalt  }
0x7e: {  	_ =	shalt  }
0x7f: {  	_ =	shalt  }
0x80: {  	_ =	shalt  }
0x81: {  	_ =	shalt  }
0x82: {  	_ =	shalt  }
0x83: {  	_ =	shalt  }
0x84: {  	_ =	shalt  }
0x85: {  	_ =	shalt  }
0x86: {  	_ =	shalt  }
0x87: {  	_ =	shalt  }
.Lfunc_end0:
.L_simem_size_0:
called_computation_lowered:
.L_overlay_start_0:
0x88: {  	s2 =	sld [smem:$0x3FD9]  }
0x89: {  	s3 =	sld [smem:$0x3FFE];
	_ =	sdelay $0x1  }
0x8a: {  	s1 =	srdreg.scid  }
0x8b: {  	s0 =	sand.u32 $0x1, s1  }
0x8c: {  	s16 =	sshll.u32 s0, $0xA;
	s2 =	sadd.s32 s3, s2  }
0x8d: {  	s2 =	sadd.s32 s2, s16  }
0x8e: {  	[smem:$0x3FBA] =	sst s2  }
0x8f: {  	_ = 	snop  }
0x90: {  	(tm) =	ssettm $0x1  }
0x91: {  	s17 =	sld [smem:$0x3FFB];
	_ =	sdelay $0x3  }
0x92: {  	_ =	strace s17  }
0x93: {  	s2 =	sld [smem:$0x3FFC];
	_ =	sdelay $0x3  }
0x94: {  	_ =	strace s2  }
0x95: {  	s2 =	sld [smem:$0x3FFD];
	_ =	sdelay $0x3  }
0x96: {  	_ =	strace s2  }
0x97: {  	_ =	strace $0x8FFFFFFF  }
0x98: {  	s18 =	sld [smem:$0x3FDB];
	_ =	sdelay $0x1  }
0x99: {  	s19 =	simm.s32 $_scs_section_size  }
0x9a: {  	s4 =	simm.s32 $_size__tile_overlayer_lowered;
	s5 =	simm.s32 $_tile_overlayer_lowered  }
0x9b: {  	s22 =	simm.s32 $0x1BFF;
	s21 =	sshll.u32 s5, $0x1;
	s2 =	sadd.s32 s19, s18  }
0x9c: {  	s6 =	simm.s32 $0x0;
	s20 =	sshll.u32 s4, $0x1;
	s4 =	sadd.s32 s21, s2  }
0x9d: {  	[timem:s6], [sflag:s22] =	dma.local [hbm:s4], s20  }
0x9e: {  	_ =	swait.ge [sflag:s22], s20  }
0x9f: {  	s3 =	ssub.s32 $0x0, s20;
	[sflag:s22] =	ssyncset.done $0x0  }
0xa0: {  	[sflag:s22] =	ssyncadd.s32 s3;
	_ =	sdelay $0x1  }
0xa1: {  	s23 =	simm.s32 $0x1B8B  }
0xa2: {  	_ =	swait.ge [sflag:s23], $0x1  }
0xa3: {  	[sflag:s23] =	ssyncset.done $0x0  }
0xa4: {  	s25 =	simm.s32 $0x1B8E;
	s24 =	sld [smem:$0x3FFE];
	[sflag:s23] =	ssyncadd.s32 $0xFFFFFFFF  }
0xa5: {  	s26 =	simm.s32 $execute0_lowered;
	[smem:$0x3FD2] =	sst s25  }
0xa6: {  	s4 =	sshll.u32 s26, $0x1;
	_ =	strace $0x80000046;
	[dreg:$0x1] =	wrdreg $0xFFFFFFFF  }
0xa7: {  	s28 =	simm.s32 $_size_execute0_lowered;
	s2 =	sadd.s32 s2, s4;
	[dreg:$0x0] =	wrdreg $0x0  }
0xa8: {  	s4 =	sshll.u32 s28, $0x1;
	[dreg:$0x2] =	wrdreg s2  }
0xa9: {  	[dreg:$0x3] =	wrdreg s4  }
0xaa: {  	[dreg:$0x4] =	wrdreg $0xC0  }
0xab: {  	_ =	task [dreg:s6], $0x5FFFF  }
0xac: {  	[dreg:$0x1] =	wrdreg $0xFFFFFFFF  }
0xad: {  	[dreg:$0x0] =	wrdreg $0x60  }
0xae: {  	[dreg:$0x2] =	wrdreg s24  }
0xaf: {  	[dreg:$0x3] =	wrdreg $0x9  }
0xb0: {  	_ =	task.clear_ibuf [dreg:s6], $0x4FFFF;
	_ =	strace $0x90000046  }
0xb1: {  	s29 =	simm.s32 $0x9;
	_ =	strace $0x80000048  }
0xb2: {  	_ =	swait.ge [sflag:s29], $0x1  }
0xb3: {  	[sflag:s29] =	ssyncadd.s32 $0xFFFFFFFF  }
0xb4: {  	_ =	strace $0x90000048  }
0xb5: {  	_ =	sfence  }
0xb6: {  	s30 =	sld [smem:$0x0];
	_ =	sdelay $0x2  }
0xb7: {  	s31 =	sshll.u32 s1, $0xD;
	s1 =	sshrl.u32 s1, $0x2  }
0xb8: {  	s3 =	sand.u32 $0x4000, s31;
	s1 =	sadd.s32 s1, s30  }
0xb9: {  	s0 =	sor.u32 s3, s0;
	s1 =	sshll.u32 s1, $0x11  }
0xba: {  	s0 =	sor.u32 s1, s0  }
0xbb: {  	s0 =	sadd.s32 $0x8F2B, s0  }
0xbc: {  	[sflag:s0] =	ssyncadd.remote.s32 $0x1  }
0xbd: {  	_ =	sfence.sel $0xFFFF  }
0xbe: {  	[dreg:$0x0] =	wrdreg $0xFFFFFFFF;
	(pc) =	sbr.abs _section_cstart, $3  }
0xbf: {  	[dreg:$0x1] =	wrdreg $0xFFFFFFFF  }
0xc0: {  	_ =	task.clear_ibuf [dreg:s6], $0x2FFFF;
	_ =	strace $0x9FFFFFFF  }
0xc1: {  	(tm) =	ssettm $0x7FFFFFFF  }
tec
execute0_lowered:
.L_overlay_start_1:
0x0: {  	(tag) =	ssettag $0x1  }
0x1: {  	s6 =	rddreg [dreg:$0x0]  }
0x2: {  	s0 =	rddreg [dreg:$0x1];
	s3 =	srdreg.scid  }
0x3: {  	s2 =	simm.s32 $0x0;
	s1 =	stileid.u32;
	s11 =	simm.s32 $0x7D00  }
0x4: {  	s12 =	simm.s32 $0x1;
	s13 =	simm.s32 $0xFA00;
	s14 =	simm.s32 $0x11980  }
0x5: {  	s15 =	simm.s32 $0x2;
	s17 =	simm.s32 $0x4;
	s18 =	simm.s32 $0x0  }
0x6: {  	s7 =	sand.u32 $0x1, s3;
	[smem:$0x7FF] =	sst s2;
	s30 =	sshll.u32 s1, $0x6  }
0x7: {  	s3 =	sadd.s32 $0x3000, s6;
	s4 =	sshll.u32 s7, $0x5;
	_ =	strace $0x80000047  }
.Ltmp0:
0x8: {  	v0 =	vlaneseq.u32;
	s8 =	ssub.s32 $0x2, s7;
	s5 =	sor.u32 s4, s30;
	(pc) =	sbr.rel .LBB2_1-.Ltmp0, $4  }
0x9: {  	v2 =	vmul.u32 $0x3E9, v0;
	s4 =	sadd.s32 $0xCE00, s6;
	s9 =	sshrl.u32 s8, $0x1;
	s16 =	smin.u32 s5, $0x3C8  }
0xa: {  	s5 =	sadd.s32 $0x13E200, s6;
	s6 =	sadd.s32 $0x18A800, s6;
	s10 =	ssub.s32 s8, s9  }
0xb: {  	v3 =	vimm.f32 $0.0e+00;
	s31 =	sshrl.u32 s16, $0x2;
	s8 =	sshll.u32 s16, $0x6;
	s9 =	smul.u32 $0x3E8, s16;
	v1 =	vadd.s32 s16, v2;
	v2 =	vadd.s32 $0x3E90, v2  }
0xc: {  	v4 =	vimm.f32 $1.000000000e+00;
	s10 =	smax.u32 s10, $0x1;
	v0 =	vmov s16;
	s7 =	smul.u32 $0x3E8, s31;
	v2 =	vadd.s32 s16, v2;
	s16 =	simm.s32 $0x3  }
.LBB2_12:
0xd: {  	_ =	swait.ge [sflag:s15], $0x7D00  }
0xe: {  	[sflag:s15] =	ssyncset.done $0x0  }
0xf: {  	s18 =	sadd.s32 $0x1, s18;
	[sflag:s15] =	ssyncadd.s32 $0xFFFF8300  }
0x10: {  	p0 =	sne.s32 s18, s10;
	_ =	swait.ge [sflag:s16], $0x1F40  }
.Ltmp1:
0x11: {  	[sflag:s16] =	ssyncset.done $0x0;
	(pc) =	sbr.rel @!p0 .LBB2_13-.Ltmp1, $4  }
0x12: {  	[sflag:s16] =	ssyncadd.s32 $0xFFFFE0C0  }
0x13: {  	_ =	swait.ge [sflag:s17], $0x800  }
0x14: {  	[sflag:s17] =	ssyncset.done $0x0  }
0x15: {  	[sflag:s17] =	ssyncadd.s32 $0xFFFFF800  }
.LBB2_1:
0x16: {  	[tilespmem:s2], [sflag:$0x1] =	stream.linear.gather [hbm4b:s3+s2], $0x7D00, $0x38;
	[tilespmem:$0x12180] =	vst v63  }
0x17: {  	s19 =	simm.s32 $0x0  }
.LBB2_2:
0x18: {  	p0 =	seq.s32 s19, $0x0  }
0x19: {  	s20 =	simm.s32 @!p0 $0x2  }
0x1a: {  	_ =	swait.ge @!p0 [sflag:s20], $0x7D00  }
0x1b: {  	[sflag:s20] =	ssyncset.done @!p0 $0x0  }
0x1c: {  	[sflag:s20] =	ssyncadd.s32 @!p0 $0xFFFF8300;
	s20 =	simm.s32 @!p0 $0x3  }
0x1d: {  	_ =	swait.ge @!p0 [sflag:s20], $0x1F40  }
0x1e: {  	[sflag:s20] =	ssyncset.done @!p0 $0x0  }
0x1f: {  	[sflag:s20] =	ssyncadd.s32 @!p0 $0xFFFFE0C0;
	s20 =	simm.s32 @!p0 $0x4  }
0x20: {  	_ =	swait.ge @!p0 [sflag:s20], $0x800  }
0x21: {  	s21 =	simm.s32 $0x0;
	[sflag:s20] =	ssyncset.done @!p0 $0x0  }
0x22: {  	s22 =	simm.s32 $0x200;
	[sflag:s20] =	ssyncadd.s32 @!p0 $0xFFFFF800;
	s20 =	simm.s32 $0x0  }
.LBB2_3:
0x23: {  	p0 =	sne.s32 s22, $0x1F200;
	[tilespmem:s21+$0x7D70] =	vst v3  }
0x24: {  	[tilespmem:s21+$0x7D00] =	vst v3  }
0x25: {  	[tilespmem:s21+$0x7D10] =	vst v3  }
.Ltmp2:
0x26: {  	[tilespmem:s21+$0x7D20] =	vst v3;
	(pc) =	sbr.rel @p0 .LBB2_3-.Ltmp2, $4  }
0x27: {  	[tilespmem:s21+$0x7D30] =	vst v3  }
0x28: {  	[tilespmem:s21+$0x7D40] =	vst v3  }
0x29: {  	[tilespmem:s21+$0x7D50] =	vst v3  }
0x2a: {  	[tilespmem:s21+$0x7D60] =	vst v3;
	s21 =	sshra.s32 s22, $0x2;
	s22 =	sadd.s32 $0x200, s22  }
0x2b: {  	[tilespmem:s21+$0x7D70] =	vst v3  }
0x2c: {  	[tilespmem:s21+$0x7D00] =	vst v3  }
0x2d: {  	[tilespmem:s21+$0x7D10] =	vst v3  }
0x2e: {  	[tilespmem:s21+$0x7D20] =	vst v3  }
0x2f: {  	[tilespmem:s21+$0x7D30] =	vst v3  }
0x30: {  	[tilespmem:s21+$0x7D40] =	vst v3  }
0x31: {  	[tilespmem:s21+$0x7D50] =	vst v3  }
0x32: {  	[tilespmem:s21+$0x7D60] =	vst v3  }
.LBB2_5:
0x33: {  	p0 =	sne.s32 s20, $0x7CC0  }
.Ltmp3:
0x34: {  	_ = 	snop;
	(pc) =	sbr.rel @p0 .LBB2_5-.Ltmp3, $3  }
0x35: {  	_ =	sdelay $0x1  }
0x36: {  	s21 =	sshra.s32 s20, $0x2  }
0x37: {  	s20 =	sadd.s32 $0x40, s20;
	[tilespmem:s21+$0xFA00] =	vst v3  }
0x38: {  	s20 =	simm.s32 $0x0;
	s21 =	simm.s32 $0x200  }
.LBB2_7:
0x39: {  	p0 =	sne.s32 s21, $0x1E00;
	[tilespmem:s20+$0x119F0] =	vst v3  }
0x3a: {  	[tilespmem:s20+$0x11980] =	vst v3  }
0x3b: {  	[tilespmem:s20+$0x11990] =	vst v3  }
.Ltmp4:
0x3c: {  	[tilespmem:s20+$0x119A0] =	vst v3;
	(pc) =	sbr.rel @p0 .LBB2_7-.Ltmp4, $4  }
0x3d: {  	[tilespmem:s20+$0x119B0] =	vst v3  }
0x3e: {  	[tilespmem:s20+$0x119C0] =	vst v3  }
0x3f: {  	[tilespmem:s20+$0x119D0] =	vst v3  }
0x40: {  	[tilespmem:s20+$0x119E0] =	vst v3;
	s20 =	sshra.s32 s21, $0x2;
	s21 =	sadd.s32 $0x200, s21  }
0x41: {  	[tilespmem:s20+$0x119F0] =	vst v3  }
0x42: {  	[tilespmem:s20+$0x11980] =	vst v3  }
0x43: {  	[tilespmem:s20+$0x11990] =	vst v3  }
0x44: {  	[tilespmem:s20+$0x119A0] =	vst v3  }
0x45: {  	[tilespmem:s20+$0x119B0] =	vst v3  }
0x46: {  	[tilespmem:s20+$0x119C0] =	vst v3  }
0x47: {  	[tilespmem:s20+$0x119D0] =	vst v3  }
0x48: {  	[tilespmem:s20+$0x119E0] =	vst v3  }
0x49: {  	[tilespmem:v1+s11+$0x0] =	vst.idx.add.f32.msk $0xffff, v4  }
0x4a: {  	[tilespmem:v2+s11+$0x0] =	vst.idx.add.f32.msk $0xffff, v4  }
0x4b: {  	_ =	swait.ge [sflag:s12], $0x7D00  }
0x4c: {  	[sflag:s12] =	ssyncset.done $0x0  }
0x4d: {  	s20 =	simm.s32 $0x0;
	[sflag:s12] =	ssyncadd.s32 $0xFFFF8300  }
.LBB2_9:
0x4e: {  	s21 =	sshra.s32 s20, $0x2  }
0x4f: {  	v5 =	vld [tilespmem:s21+$0x0];
	_ =	sdelay $0x4  }
0x50: {  	v6 =	vshrl.u32 v5, $0xA  }
0x51: {  	v6 =	vsub.s32 v6, v0  }
0x52: {  	v8 =	vand.u32 $0x3FF, v5;
	v7 =	vmul.u32 $0x3E8, v6;
	v9 =	vshrl.u32 v6, $0x1  }
0x53: {  	v5 =	vshrl.u32 v5, $0x2;
	vm0 =	vlt.u32 v6, $0x20;
	v9 =	vmul.u32 $0x1F4, v9  }
0x54: {  	v6 =	vshll.u32 v6, $0x6;
	v7 =	vadd.s32 v8, v7;
	v8 =	vshrl.u32 v8, $0x1  }
0x55: {  	v5 =	vand.u32 $0xFF, v5;
	v6 =	vand.u32 $0xFFFFFF00, v6;
	v8 =	vadd.s32 v8, v9  }
0x56: {  	v5 =	vor.u32 v5, v6;
	_ =	sdelay $0x2  }
0x57: {  	[tilespmem:v7+s11+$0x0] =	vst.idx.add.f32.msk vm0, v4  }
0x58: {  	[tilespmem:v8+s13+$0x0] =	vst.idx.add.f32.msk vm0, v4  }
0x59: {  	[tilespmem:v5+s14+$0x0] =	vst.idx.add.f32.msk vm0, v4  }
0x5a: {  	v5 =	vld [tilespmem:s21+$0x10];
	_ =	sdelay $0x4  }
0x5b: {  	v6 =	vshrl.u32 v5, $0xA  }
0x5c: {  	v6 =	vsub.s32 v6, v0  }
0x5d: {  	v50 =	vand.u32 $0x3FF, v5;
	v7 =	vmul.u32 $0x3E8, v6;
	v51 =	vshrl.u32 v6, $0x1  }
0x5e: {  	v5 =	vshrl.u32 v5, $0x2;
	vm9 =	vlt.u32 v6, $0x20;
	v9 =	vmul.u32 $0x1F4, v51  }
0x5f: {  	v8 =	vshrl.u32 v50, $0x1;
	v6 =	vshll.u32 v6, $0x6;
	v7 =	vadd.s32 v50, v7  }
0x60: {  	v5 =	vand.u32 $0xFF, v5;
	v6 =	vand.u32 $0xFFFFFF00, v6;
	v8 =	vadd.s32 v8, v9  }
0x61: {  	v5 =	vor.u32 v5, v6;
	_ =	sdelay $0x2  }
0x62: {  	[tilespmem:v7+s11+$0x0] =	vst.idx.add.f32.msk vm9, v4  }
0x63: {  	[tilespmem:v8+s13+$0x0] =	vst.idx.add.f32.msk vm9, v4  }
0x64: {  	[tilespmem:v5+s14+$0x0] =	vst.idx.add.f32.msk vm9, v4  }
0x65: {  	v5 =	vld [tilespmem:s21+$0x20];
	_ =	sdelay $0x4  }
0x66: {  	v6 =	vshrl.u32 v5, $0xA  }
0x67: {  	v6 =	vsub.s32 v6, v0  }
0x68: {  	v52 =	vand.u32 $0x3FF, v5;
	v7 =	vmul.u32 $0x3E8, v6;
	v53 =	vshrl.u32 v6, $0x1  }
0x69: {  	v5 =	vshrl.u32 v5, $0x2;
	vm10 =	vlt.u32 v6, $0x20;
	v9 =	vmul.u32 $0x1F4, v53  }
0x6a: {  	v8 =	vshrl.u32 v52, $0x1;
	v6 =	vshll.u32 v6, $0x6;
	v7 =	vadd.s32 v52, v7  }
0x6b: {  	v5 =	vand.u32 $0xFF, v5;
	v6 =	vand.u32 $0xFFFFFF00, v6;
	v8 =	vadd.s32 v8, v9  }
0x6c: {  	v5 =	vor.u32 v5, v6;
	_ =	sdelay $0x2  }
0x6d: {  	[tilespmem:v7+s11+$0x0] =	vst.idx.add.f32.msk vm10, v4  }
0x6e: {  	[tilespmem:v8+s13+$0x0] =	vst.idx.add.f32.msk vm10, v4  }
0x6f: {  	[tilespmem:v5+s14+$0x0] =	vst.idx.add.f32.msk vm10, v4  }
0x70: {  	v5 =	vld [tilespmem:s21+$0x30];
	_ =	sdelay $0x4  }
0x71: {  	v6 =	vshrl.u32 v5, $0xA  }
0x72: {  	v6 =	vsub.s32 v6, v0  }
0x73: {  	v54 =	vand.u32 $0x3FF, v5;
	v7 =	vmul.u32 $0x3E8, v6;
	v55 =	vshrl.u32 v6, $0x1  }
0x74: {  	v5 =	vshrl.u32 v5, $0x2;
	vm11 =	vlt.u32 v6, $0x20;
	v9 =	vmul.u32 $0x1F4, v55  }
0x75: {  	v8 =	vshrl.u32 v54, $0x1;
	v6 =	vshll.u32 v6, $0x6;
	v7 =	vadd.s32 v54, v7  }
0x76: {  	v5 =	vand.u32 $0xFF, v5;
	v6 =	vand.u32 $0xFFFFFF00, v6;
	v8 =	vadd.s32 v8, v9  }
0x77: {  	v5 =	vor.u32 v5, v6;
	_ =	sdelay $0x2  }
0x78: {  	[tilespmem:v7+s11+$0x0] =	vst.idx.add.f32.msk vm11, v4  }
0x79: {  	[tilespmem:v8+s13+$0x0] =	vst.idx.add.f32.msk vm11, v4  }
0x7a: {  	[tilespmem:v5+s14+$0x0] =	vst.idx.add.f32.msk vm11, v4  }
0x7b: {  	v5 =	vld [tilespmem:s21+$0x40];
	_ =	sdelay $0x4  }
0x7c: {  	v6 =	vshrl.u32 v5, $0xA  }
0x7d: {  	v6 =	vsub.s32 v6, v0  }
0x7e: {  	v56 =	vand.u32 $0x3FF, v5;
	v7 =	vmul.u32 $0x3E8, v6;
	v57 =	vshrl.u32 v6, $0x1  }
0x7f: {  	v5 =	vshrl.u32 v5, $0x2;
	vm12 =	vlt.u32 v6, $0x20;
	v9 =	vmul.u32 $0x1F4, v57  }
0x80: {  	v8 =	vshrl.u32 v56, $0x1;
	v6 =	vshll.u32 v6, $0x6;
	v7 =	vadd.s32 v56, v7  }
0x81: {  	v5 =	vand.u32 $0xFF, v5;
	v6 =	vand.u32 $0xFFFFFF00, v6;
	v8 =	vadd.s32 v8, v9  }
0x82: {  	v5 =	vor.u32 v5, v6;
	_ =	sdelay $0x2  }
0x83: {  	[tilespmem:v7+s11+$0x0] =	vst.idx.add.f32.msk vm12, v4  }
0x84: {  	[tilespmem:v8+s13+$0x0] =	vst.idx.add.f32.msk vm12, v4  }
0x85: {  	[tilespmem:v5+s14+$0x0] =	vst.idx.add.f32.msk vm12, v4  }
0x86: {  	v5 =	vld [tilespmem:s21+$0x50];
	_ =	sdelay $0x4  }
0x87: {  	v6 =	vshrl.u32 v5, $0xA  }
0x88: {  	v6 =	vsub.s32 v6, v0  }
0x89: {  	v58 =	vand.u32 $0x3FF, v5;
	v7 =	vmul.u32 $0x3E8, v6;
	v59 =	vshrl.u32 v6, $0x1  }
0x8a: {  	v5 =	vshrl.u32 v5, $0x2;
	vm13 =	vlt.u32 v6, $0x20;
	v9 =	vmul.u32 $0x1F4, v59  }
0x8b: {  	v8 =	vshrl.u32 v58, $0x1;
	v6 =	vshll.u32 v6, $0x6;
	v7 =	vadd.s32 v58, v7  }
0x8c: {  	v5 =	vand.u32 $0xFF, v5;
	v6 =	vand.u32 $0xFFFFFF00, v6;
	v8 =	vadd.s32 v8, v9  }
0x8d: {  	v5 =	vor.u32 v5, v6;
	_ =	sdelay $0x2  }
0x8e: {  	[tilespmem:v7+s11+$0x0] =	vst.idx.add.f32.msk vm13, v4  }
0x8f: {  	[tilespmem:v8+s13+$0x0] =	vst.idx.add.f32.msk vm13, v4  }
0x90: {  	[tilespmem:v5+s14+$0x0] =	vst.idx.add.f32.msk vm13, v4  }
0x91: {  	v5 =	vld [tilespmem:s21+$0x60];
	_ =	sdelay $0x4  }
0x92: {  	v6 =	vshrl.u32 v5, $0xA  }
0x93: {  	v6 =	vsub.s32 v6, v0  }
0x94: {  	v60 =	vand.u32 $0x3FF, v5;
	v7 =	vmul.u32 $0x3E8, v6;
	v61 =	vshrl.u32 v6, $0x1  }
0x95: {  	v5 =	vshrl.u32 v5, $0x2;
	vm14 =	vlt.u32 v6, $0x20;
	v9 =	vmul.u32 $0x1F4, v61  }
0x96: {  	v8 =	vshrl.u32 v60, $0x1;
	v6 =	vshll.u32 v6, $0x6;
	v7 =	vadd.s32 v60, v7  }
0x97: {  	v5 =	vand.u32 $0xFF, v5;
	v6 =	vand.u32 $0xFFFFFF00, v6;
	v8 =	vadd.s32 v8, v9  }
0x98: {  	v5 =	vor.u32 v5, v6;
	_ =	sdelay $0x2  }
0x99: {  	[tilespmem:v7+s11+$0x0] =	vst.idx.add.f32.msk vm14, v4  }
0x9a: {  	[tilespmem:v8+s13+$0x0] =	vst.idx.add.f32.msk vm14, v4  }
0x9b: {  	[tilespmem:v5+s14+$0x0] =	vst.idx.add.f32.msk vm14, v4  }
0x9c: {  	v5 =	vld [tilespmem:s21+$0x70];
	_ =	sdelay $0x4  }
0x9d: {  	v6 =	vshrl.u32 v5, $0xA  }
0x9e: {  	v6 =	vsub.s32 v6, v0  }
0x9f: {  	v62 =	vand.u32 $0x3FF, v5;
	v7 =	vmul.u32 $0x3E8, v6;
	v63 =	vshrl.u32 v6, $0x1  }
0xa0: {  	v5 =	vshrl.u32 v5, $0x2;
	vm15 =	vlt.u32 v6, $0x20;
	v9 =	vmul.u32 $0x1F4, v63  }
0xa1: {  	v8 =	vshrl.u32 v62, $0x1;
	v6 =	vshll.u32 v6, $0x6;
	v7 =	vadd.s32 v62, v7  }
0xa2: {  	v5 =	vand.u32 $0xFF, v5;
	v6 =	vand.u32 $0xFFFFFF00, v6;
	v8 =	vadd.s32 v8, v9  }
0xa3: {  	p0 =	sne.s32 s20, $0x1F200;
	v5 =	vor.u32 v5, v6  }
.Ltmp5:
0xa4: {  	_ = 	snop;
	(pc) =	sbr.rel @p0 .LBB2_9-.Ltmp5, $4  }
0xa5: {  	_ = 	snop  }
0xa6: {  	[tilespmem:v7+s11+$0x0] =	vst.idx.add.f32.msk vm15, v4  }
0xa7: {  	[tilespmem:v8+s13+$0x0] =	vst.idx.add.f32.msk vm15, v4  }
0xa8: {  	s20 =	sadd.s32 $0x200, s20;
	[tilespmem:v5+s14+$0x0] =	vst.idx.add.f32.msk vm15, v4  }
0xa9: {  	s20 =	smul.u32 $0xF4240, s19;
	_ =	sdelay $0x1  }
0xaa: {  	s21 =	smul.u32 $0x3D090, s19;
	s20 =	sadd.s32 s9, s20  }
0xab: {  	s22 =	smul.u32 $0xFA00, s19;
	s20 =	sshrl.u32 s20, $0x3  }
0xac: {  	p0 =	seq.s32 s19, $0x9;
	s21 =	sadd.s32 s7, s21;
	s20 =	sadd.s32 s4, s20  }
0xad: {  	[hbm4b:s20+s2] =	stream.linear.scatter [tilespmem:s11], [sflag:$0x2], $0x7D00, $0x38;
	[tilespmem:$0x12180] =	vst v63  }
.Ltmp6:
0xae: {  	s30 =	sadd.s32 s8, s22;
	s29 =	sshrl.u32 s21, $0x3;
	(pc) =	sbr.rel @p0 .LBB2_12-.Ltmp6, $4  }
0xaf: {  	s31 =	sshrl.u32 s30, $0x3;
	s20 =	sadd.s32 s5, s29  }
0xb0: {  	[hbm4b:s20+s2] =	stream.linear.scatter [tilespmem:s13], [sflag:$0x3], $0x1F40, $0x38;
	[tilespmem:$0x12180] =	vst v63  }
0xb1: {  	s20 =	sadd.s32 s6, s31  }
0xb2: {  	[hbm4b:s20+s2] =	stream.linear.scatter [tilespmem:s14], [sflag:$0x4], $0x800, $0x38;
	[tilespmem:$0x12180] =	vst v63  }
0xb3: {  	s20 =	smul.u32 $0x7D00, s19  }
.Ltmp7:
0xb4: {  	_ = 	snop;
	(pc) =	sbr.rel .LBB2_2-.Ltmp7, $4  }
0xb5: {  	s20 =	sshrl.u32 s20, $0x3  }
0xb6: {  	s20 =	sadd.s32 s3, s20  }
0xb7: {  	s19 =	sadd.s32 $0x1, s19;
	s20 =	sadd.s32 $0xFA0, s20  }
0xb8: {  	[tilespmem:s2], [sflag:$0x1] =	stream.linear.gather [hbm4b:s20+s2], $0x7D00, $0x38;
	[tilespmem:$0x12180] =	vst v63  }
.LBB2_13:
0xb9: {  	_ =	sfence.sel $0x180000  }
0xba: {  	[bflag:$0x0] =	sbarrier.arrive $0xFFFF  }
0xbb: {  	p0 =	sne.s32 s1, $0x0;
	_ =	strace $0x90000047  }
0xbc: {  	s0 =	sadd.s32 @!p0 $0x100000, s0;
	[bflag:$0x2] =	sbarrier.arrive $0xFFFF  }
0xbd: {  	[sflag:s0] =	ssyncadd.tile.s32 @!p0 $0x1;
	_ =	shalt  }
.Lfunc_end2:
_tile_overlayer_lowered:
.L_overlay_start_2:
0xbe: {  	(tag) =	ssettag $0x2  }
0xbf: {  	s0 =	rddreg [dreg:$0x0];
	s2 =	stileid.u32  }
0xc0: {  	s1 =	rddreg [dreg:$0x1];
	p0 =	sne.s32 s2, $0x0  }
0xc1: {  	s3 =	rddreg [dreg:$0x2];
	[bflag:$0x3] =	sbarrier.arrive $0xFFFF;
	s2 =	simm.s32 @!p0 $0x1C05  }
0xc2: {  	[timem:s3], [sflag:s2] =	dma.local @!p0 [hbm:s0], s1  }
0xc3: {  	s0 =	simm.s32 @!p0 $0x5  }
0xc4: {  	_ =	swait.ge @!p0 [sflag:s0], s1  }
0xc5: {  	s1 =	ssub.s32 @!p0 $0x0, s1;
	[sflag:s0] =	ssyncset.done @!p0 $0x0  }
0xc6: {  	[sflag:s0] =	ssyncadd.s32 @!p0 s1  }
0xc7: {  	[bflag:$0x3] =	sbarrier.arrive $0xFFFF  }
0xc8: {  	_ =	shalt  }

</sc_bundles>
